<compile_context>
chip_gen: v7x
topology: tpu7x:2x2x1
jax: 0.10.2.dev20260603
libtpu: 0.0.44.dev20260713+nightly
codegen_flags: <defaults>
</compile_context>

<pallas_src>
import functools

import jax
import jax.numpy as jnp
from jax import lax
from jax.experimental import pallas as pl
from jax.experimental.pallas import tpu as pltpu
from jax.experimental.pallas import tpu_sc as plsc

_NC = 2
_NS = 16
_NW = _NC * _NS

_D = 64
_B = 16384 * 50
_B_PER_W = _B // _NW
_CHUNK = 200
_NCHUNK = _B_PER_W // _CHUNK
_NBUF = 8

assert _NCHUNK % _NBUF == 0


def _make_gather():
    mesh = plsc.VectorSubcoreMesh(core_axis_name="c", subcore_axis_name="s")

    @functools.partial(
        pl.kernel,
        out_type=jax.ShapeDtypeStruct((_B, _D), jnp.float32),
        mesh=mesh,
        scratch_types=[
            pltpu.VMEM((_NBUF, _CHUNK), jnp.int32),
            pltpu.VMEM((_NBUF, _CHUNK, _D), jnp.float32),
            [pltpu.SemaphoreType.DMA] * _NBUF,
            [pltpu.SemaphoreType.DMA] * _NBUF,
            [pltpu.SemaphoreType.DMA] * _NBUF,
        ],
        compiler_params=pltpu.CompilerParams(use_tc_tiling_on_sc=False),
    )
    def gather_kernel(idx_hbm, table_hbm, out_hbm, idx_v, rows_v,
                      sem_i, sem_g, sem_o):
        wid = lax.axis_index("s") * _NC + lax.axis_index("c")
        base = wid * _B_PER_W

        def idx_copy(g, b):
            return pltpu.make_async_copy(
                idx_hbm.at[pl.ds(base + g * _CHUNK, _CHUNK)],
                idx_v.at[b], sem_i[b])

        def gather_copy(b):
            return pltpu.make_async_copy(
                table_hbm.at[idx_v.at[b]], rows_v.at[b], sem_g[b])

        def out_copy(g, b):
            return pltpu.make_async_copy(
                rows_v.at[b], out_hbm.at[pl.ds(base + g * _CHUNK, _CHUNK)],
                sem_o[b])

        for b in range(_NBUF):
            idx_copy(b, b).start()

        def ring(r, carry):
            g0 = r * _NBUF
            for b in range(_NBUF):
                g = g0 + b

                @pl.when(r > 0)
                def _(b=b, g=g):
                    out_copy(g - _NBUF, b).wait()

                idx_copy(g, b).wait()
                gather_copy(b).start()

            for b in range(_NBUF):
                g = g0 + b
                gather_copy(b).wait()
                out_copy(g, b).start()

                @pl.when(g + _NBUF < _NCHUNK)
                def _(b=b, g=g):
                    idx_copy(g + _NBUF, b).start()

            return carry

        lax.fori_loop(0, _NCHUNK // _NBUF, ring, 0)

        for b in range(_NBUF):
            out_copy(_NCHUNK - _NBUF + b, b).wait()

    return gather_kernel


_gather = _make_gather()


@jax.jit
def kernel(token_ids, weight):
    idx = token_ids.reshape(-1).astype(jnp.int32)
    out = _gather(idx, weight)
    return out.reshape(token_ids.shape + (weight.shape[1],))

# --- scband reference (transcript-rebuilt; emitter-appended) ---
"""Pipeline reference for scband-standard-embedding-61177514164240 (READ-ONLY COPY).

The authoritative reference and input builder live on the scoring server;
editing this copy changes nothing except your own understanding.
"""

import jax, jax.numpy as jnp
import numpy as np

VOCAB = 1000000
EMBED_DIM = 64

def setup_inputs(seed: int = 0) -> dict:
    key = jax.random.key(seed)
    k1, k2 = jax.random.split(key)
    token_ids = jax.random.randint(k1, (16384, 50), 0, VOCAB, dtype=jnp.int64 if jax.config.jax_enable_x64 else jnp.int32)
    weight = jax.random.normal(k2, (VOCAB, EMBED_DIM), dtype=jnp.float32)
    return {"token_ids": token_ids, "weight": weight}

def reference(token_ids, weight):
    # nn.Embedding forward: gather rows of weight by token_ids
    return jnp.take(weight, token_ids, axis=0)

if __name__ == "__main__":
    import jax
    _d = setup_inputs()
    print(jax.jit(kernel)(*tuple(_d.values())))

</pallas_src>

<mosaic_0001>
#map = affine_map<(d0, d1) -> (0)>
#map1 = affine_map<(d0, d1) -> (0, 0)>
module attributes {stable_mosaic.version = 14 : i64} {
  func.func @gather_kernel(%arg0: i32, %arg1: i32, %arg2: memref<819200xi32, #tpu.memory_space<hbm>>, %arg3: memref<1000000x64xf32, #tpu.memory_space<hbm>>, %arg4: memref<819200x64xf32, #tpu.memory_space<hbm>>, %arg5: memref<8x200xi32, #tpu.memory_space<vmem>>, %arg6: memref<8x200x64xf32, #tpu.memory_space<vmem>>, %arg7: memref<!tpu.dma_semaphore, #tpu.memory_space<semaphore_mem>>, %arg8: memref<!tpu.dma_semaphore, #tpu.memory_space<semaphore_mem>>, %arg9: memref<!tpu.dma_semaphore, #tpu.memory_space<semaphore_mem>>, %arg10: memref<!tpu.dma_semaphore, #tpu.memory_space<semaphore_mem>>, %arg11: memref<!tpu.dma_semaphore, #tpu.memory_space<semaphore_mem>>, %arg12: memref<!tpu.dma_semaphore, #tpu.memory_space<semaphore_mem>>, %arg13: memref<!tpu.dma_semaphore, #tpu.memory_space<semaphore_mem>>, %arg14: memref<!tpu.dma_semaphore, #tpu.memory_space<semaphore_mem>>, %arg15: memref<!tpu.dma_semaphore, #tpu.memory_space<semaphore_mem>>, %arg16: memref<!tpu.dma_semaphore, #tpu.memory_space<semaphore_mem>>, %arg17: memref<!tpu.dma_semaphore, #tpu.memory_space<semaphore_mem>>, %arg18: memref<!tpu.dma_semaphore, #tpu.memory_space<semaphore_mem>>, %arg19: memref<!tpu.dma_semaphore, #tpu.memory_space<semaphore_mem>>, %arg20: memref<!tpu.dma_semaphore, #tpu.memory_space<semaphore_mem>>, %arg21: memref<!tpu.dma_semaphore, #tpu.memory_space<semaphore_mem>>, %arg22: memref<!tpu.dma_semaphore, #tpu.memory_space<semaphore_mem>>, %arg23: memref<!tpu.dma_semaphore, #tpu.memory_space<semaphore_mem>>, %arg24: memref<!tpu.dma_semaphore, #tpu.memory_space<semaphore_mem>>, %arg25: memref<!tpu.dma_semaphore, #tpu.memory_space<semaphore_mem>>, %arg26: memref<!tpu.dma_semaphore, #tpu.memory_space<semaphore_mem>>, %arg27: memref<!tpu.dma_semaphore, #tpu.memory_space<semaphore_mem>>, %arg28: memref<!tpu.dma_semaphore, #tpu.memory_space<semaphore_mem>>, %arg29: memref<!tpu.dma_semaphore, #tpu.memory_space<semaphore_mem>>, %arg30: memref<!tpu.dma_semaphore, #tpu.memory_space<semaphore_mem>>) attributes {dimension_semantics = [#tpu.dimension_semantics<core_parallel>, #tpu.dimension_semantics<subcore_parallel>], iteration_bounds = array<i64: 2, 16>, scalar_prefetch = 0 : i64, scratch_operands = 26 : i64, tpu.core_type = #tpu.core_type<sc_vector_subcore>, window_params = [{transform_indices = #map}, {transform_indices = #map1}, {transform_indices = #map1}]} {
    %mul3A = arith.constant 2 : i32
    %mul3A_0 = arith.muli %arg1, %mul3A : i32
    %add3A = arith.addi %mul3A_0, %arg0 : i32
    %mul3A_1 = arith.constant 25600 : i32
    %mul3A_2 = arith.muli %add3A, %mul3A_1 : i32
    %add3A_3 = arith.constant 0 : i32
    %add3A_4 = arith.addi %mul3A_2, %add3A_3 : i32
    %dma_start3A = arith.constant 0 : i32
    %dma_start3A_5 = arith.constant 0 : i32
    %dma_start3A_6 = tpu.memref_slice %arg5[%dma_start3A, %dma_start3A_5] : memref<8x200xi32, #tpu.memory_space<vmem>> -> memref<1x200xi32, #tpu.memory_space<vmem>>
    %dma_start3A_7 = tpu.memref_squeeze %dma_start3A_6 : memref<1x200xi32, #tpu.memory_space<vmem>> -> memref<200xi32, #tpu.memory_space<vmem>>
    %dma_start3A_8 = tpu.memref_slice %arg2[%add3A_4] : memref<819200xi32, #tpu.memory_space<hbm>> -> memref<200xi32, #tpu.memory_space<hbm>>
    %dma_start3A_9 = arith.constant 0 : i32
    %dma_start3A_10 = tpu.memref_slice %arg5[%dma_start3A, %dma_start3A_9] : memref<8x200xi32, #tpu.memory_space<vmem>> -> memref<1x200xi32, #tpu.memory_space<vmem>>
    %dma_start3A_11 = tpu.memref_squeeze %dma_start3A_10 : memref<1x200xi32, #tpu.memory_space<vmem>> -> memref<200xi32, #tpu.memory_space<vmem>>
    %dma_start3A_12 = tpu.memref_slice %arg2[%add3A_4] : memref<819200xi32, #tpu.memory_space<hbm>> -> memref<200xi32, #tpu.memory_space<hbm>>
    tpu.enqueue_dma source(%dma_start3A_12 : memref<200xi32, #tpu.memory_space<hbm>>) target(%dma_start3A_11 : memref<200xi32, #tpu.memory_space<vmem>>) target_semaphore(%arg7 : memref<!tpu.dma_semaphore, #tpu.memory_space<semaphore_mem>>)
    %add3A_13 = arith.constant 200 : i32
    %add3A_14 = arith.addi %mul3A_2, %add3A_13 : i32
    %dma_start3A_15 = arith.constant 1 : i32
    %dma_start3A_16 = arith.constant 0 : i32
    %dma_start3A_17 = tpu.memref_slice %arg5[%dma_start3A_15, %dma_start3A_16] : memref<8x200xi32, #tpu.memory_space<vmem>> -> memref<1x200xi32, #tpu.memory_space<vmem>>
    %dma_start3A_18 = tpu.memref_squeeze %dma_start3A_17 : memref<1x200xi32, #tpu.memory_space<vmem>> -> memref<200xi32, #tpu.memory_space<vmem>>
    %dma_start3A_19 = tpu.memref_slice %arg2[%add3A_14] : memref<819200xi32, #tpu.memory_space<hbm>> -> memref<200xi32, #tpu.memory_space<hbm>>
    %dma_start3A_20 = arith.constant 0 : i32
    %dma_start3A_21 = tpu.memref_slice %arg5[%dma_start3A_15, %dma_start3A_20] : memref<8x200xi32, #tpu.memory_space<vmem>> -> memref<1x200xi32, #tpu.memory_space<vmem>>
    %dma_start3A_22 = tpu.memref_squeeze %dma_start3A_21 : memref<1x200xi32, #tpu.memory_space<vmem>> -> memref<200xi32, #tpu.memory_space<vmem>>
    %dma_start3A_23 = tpu.memref_slice %arg2[%add3A_14] : memref<819200xi32, #tpu.memory_space<hbm>> -> memref<200xi32, #tpu.memory_space<hbm>>
    tpu.enqueue_dma source(%dma_start3A_23 : memref<200xi32, #tpu.memory_space<hbm>>) target(%dma_start3A_22 : memref<200xi32, #tpu.memory_space<vmem>>) target_semaphore(%arg8 : memref<!tpu.dma_semaphore, #tpu.memory_space<semaphore_mem>>)
    %add3A_24 = arith.constant 400 : i32
    %add3A_25 = arith.addi %mul3A_2, %add3A_24 : i32
    %dma_start3A_26 = arith.constant 2 : i32
    %dma_start3A_27 = arith.constant 0 : i32
    %dma_start3A_28 = tpu.memref_slice %arg5[%dma_start3A_26, %dma_start3A_27] : memref<8x200xi32, #tpu.memory_space<vmem>> -> memref<1x200xi32, #tpu.memory_space<vmem>>
    %dma_start3A_29 = tpu.memref_squeeze %dma_start3A_28 : memref<1x200xi32, #tpu.memory_space<vmem>> -> memref<200xi32, #tpu.memory_space<vmem>>
    %dma_start3A_30 = tpu.memref_slice %arg2[%add3A_25] : memref<819200xi32, #tpu.memory_space<hbm>> -> memref<200xi32, #tpu.memory_space<hbm>>
    %dma_start3A_31 = arith.constant 0 : i32
    %dma_start3A_32 = tpu.memref_slice %arg5[%dma_start3A_26, %dma_start3A_31] : memref<8x200xi32, #tpu.memory_space<vmem>> -> memref<1x200xi32, #tpu.memory_space<vmem>>
    %dma_start3A_33 = tpu.memref_squeeze %dma_start3A_32 : memref<1x200xi32, #tpu.memory_space<vmem>> -> memref<200xi32, #tpu.memory_space<vmem>>
    %dma_start3A_34 = tpu.memref_slice %arg2[%add3A_25] : memref<819200xi32, #tpu.memory_space<hbm>> -> memref<200xi32, #tpu.memory_space<hbm>>
    tpu.enqueue_dma source(%dma_start3A_34 : memref<200xi32, #tpu.memory_space<hbm>>) target(%dma_start3A_33 : memref<200xi32, #tpu.memory_space<vmem>>) target_semaphore(%arg9 : memref<!tpu.dma_semaphore, #tpu.memory_space<semaphore_mem>>)
    %add3A_35 = arith.constant 600 : i32
    %add3A_36 = arith.addi %mul3A_2, %add3A_35 : i32
    %dma_start3A_37 = arith.constant 3 : i32
    %dma_start3A_38 = arith.constant 0 : i32
    %dma_start3A_39 = tpu.memref_slice %arg5[%dma_start3A_37, %dma_start3A_38] : memref<8x200xi32, #tpu.memory_space<vmem>> -> memref<1x200xi32, #tpu.memory_space<vmem>>
    %dma_start3A_40 = tpu.memref_squeeze %dma_start3A_39 : memref<1x200xi32, #tpu.memory_space<vmem>> -> memref<200xi32, #tpu.memory_space<vmem>>
    %dma_start3A_41 = tpu.memref_slice %arg2[%add3A_36] : memref<819200xi32, #tpu.memory_space<hbm>> -> memref<200xi32, #tpu.memory_space<hbm>>
    %dma_start3A_42 = arith.constant 0 : i32
    %dma_start3A_43 = tpu.memref_slice %arg5[%dma_start3A_37, %dma_start3A_42] : memref<8x200xi32, #tpu.memory_space<vmem>> -> memref<1x200xi32, #tpu.memory_space<vmem>>
    %dma_start3A_44 = tpu.memref_squeeze %dma_start3A_43 : memref<1x200xi32, #tpu.memory_space<vmem>> -> memref<200xi32, #tpu.memory_space<vmem>>
    %dma_start3A_45 = tpu.memref_slice %arg2[%add3A_36] : memref<819200xi32, #tpu.memory_space<hbm>> -> memref<200xi32, #tpu.memory_space<hbm>>
    tpu.enqueue_dma source(%dma_start3A_45 : memref<200xi32, #tpu.memory_space<hbm>>) target(%dma_start3A_44 : memref<200xi32, #tpu.memory_space<vmem>>) target_semaphore(%arg10 : memref<!tpu.dma_semaphore, #tpu.memory_space<semaphore_mem>>)
    %add3A_46 = arith.constant 800 : i32
    %add3A_47 = arith.addi %mul3A_2, %add3A_46 : i32
    %dma_start3A_48 = arith.constant 4 : i32
    %dma_start3A_49 = arith.constant 0 : i32
    %dma_start3A_50 = tpu.memref_slice %arg5[%dma_start3A_48, %dma_start3A_49] : memref<8x200xi32, #tpu.memory_space<vmem>> -> memref<1x200xi32, #tpu.memory_space<vmem>>
    %dma_start3A_51 = tpu.memref_squeeze %dma_start3A_50 : memref<1x200xi32, #tpu.memory_space<vmem>> -> memref<200xi32, #tpu.memory_space<vmem>>
    %dma_start3A_52 = tpu.memref_slice %arg2[%add3A_47] : memref<819200xi32, #tpu.memory_space<hbm>> -> memref<200xi32, #tpu.memory_space<hbm>>
    %dma_start3A_53 = arith.constant 0 : i32
    %dma_start3A_54 = tpu.memref_slice %arg5[%dma_start3A_48, %dma_start3A_53] : memref<8x200xi32, #tpu.memory_space<vmem>> -> memref<1x200xi32, #tpu.memory_space<vmem>>
    %dma_start3A_55 = tpu.memref_squeeze %dma_start3A_54 : memref<1x200xi32, #tpu.memory_space<vmem>> -> memref<200xi32, #tpu.memory_space<vmem>>
    %dma_start3A_56 = tpu.memref_slice %arg2[%add3A_47] : memref<819200xi32, #tpu.memory_space<hbm>> -> memref<200xi32, #tpu.memory_space<hbm>>
    tpu.enqueue_dma source(%dma_start3A_56 : memref<200xi32, #tpu.memory_space<hbm>>) target(%dma_start3A_55 : memref<200xi32, #tpu.memory_space<vmem>>) target_semaphore(%arg11 : memref<!tpu.dma_semaphore, #tpu.memory_space<semaphore_mem>>)
    %add3A_57 = arith.constant 1000 : i32
    %add3A_58 = arith.addi %mul3A_2, %add3A_57 : i32
    %dma_start3A_59 = arith.constant 5 : i32
    %dma_start3A_60 = arith.constant 0 : i32
    %dma_start3A_61 = tpu.memref_slice %arg5[%dma_start3A_59, %dma_start3A_60] : memref<8x200xi32, #tpu.memory_space<vmem>> -> memref<1x200xi32, #tpu.memory_space<vmem>>
    %dma_start3A_62 = tpu.memref_squeeze %dma_start3A_61 : memref<1x200xi32, #tpu.memory_space<vmem>> -> memref<200xi32, #tpu.memory_space<vmem>>
    %dma_start3A_63 = tpu.memref_slice %arg2[%add3A_58] : memref<819200xi32, #tpu.memory_space<hbm>> -> memref<200xi32, #tpu.memory_space<hbm>>
    %dma_start3A_64 = arith.constant 0 : i32
    %dma_start3A_65 = tpu.memref_slice %arg5[%dma_start3A_59, %dma_start3A_64] : memref<8x200xi32, #tpu.memory_space<vmem>> -> memref<1x200xi32, #tpu.memory_space<vmem>>
    %dma_start3A_66 = tpu.memref_squeeze %dma_start3A_65 : memref<1x200xi32, #tpu.memory_space<vmem>> -> memref<200xi32, #tpu.memory_space<vmem>>
    %dma_start3A_67 = tpu.memref_slice %arg2[%add3A_58] : memref<819200xi32, #tpu.memory_space<hbm>> -> memref<200xi32, #tpu.memory_space<hbm>>
    tpu.enqueue_dma source(%dma_start3A_67 : memref<200xi32, #tpu.memory_space<hbm>>) target(%dma_start3A_66 : memref<200xi32, #tpu.memory_space<vmem>>) target_semaphore(%arg12 : memref<!tpu.dma_semaphore, #tpu.memory_space<semaphore_mem>>)
    %add3A_68 = arith.constant 1200 : i32
    %add3A_69 = arith.addi %mul3A_2, %add3A_68 : i32
    %dma_start3A_70 = arith.constant 6 : i32
    %dma_start3A_71 = arith.constant 0 : i32
    %dma_start3A_72 = tpu.memref_slice %arg5[%dma_start3A_70, %dma_start3A_71] : memref<8x200xi32, #tpu.memory_space<vmem>> -> memref<1x200xi32, #tpu.memory_space<vmem>>
    %dma_start3A_73 = tpu.memref_squeeze %dma_start3A_72 : memref<1x200xi32, #tpu.memory_space<vmem>> -> memref<200xi32, #tpu.memory_space<vmem>>
    %dma_start3A_74 = tpu.memref_slice %arg2[%add3A_69] : memref<819200xi32, #tpu.memory_space<hbm>> -> memref<200xi32, #tpu.memory_space<hbm>>
    %dma_start3A_75 = arith.constant 0 : i32
    %dma_start3A_76 = tpu.memref_slice %arg5[%dma_start3A_70, %dma_start3A_75] : memref<8x200xi32, #tpu.memory_space<vmem>> -> memref<1x200xi32, #tpu.memory_space<vmem>>
    %dma_start3A_77 = tpu.memref_squeeze %dma_start3A_76 : memref<1x200xi32, #tpu.memory_space<vmem>> -> memref<200xi32, #tpu.memory_space<vmem>>
    %dma_start3A_78 = tpu.memref_slice %arg2[%add3A_69] : memref<819200xi32, #tpu.memory_space<hbm>> -> memref<200xi32, #tpu.memory_space<hbm>>
    tpu.enqueue_dma source(%dma_start3A_78 : memref<200xi32, #tpu.memory_space<hbm>>) target(%dma_start3A_77 : memref<200xi32, #tpu.memory_space<vmem>>) target_semaphore(%arg13 : memref<!tpu.dma_semaphore, #tpu.memory_space<semaphore_mem>>)
    %add3A_79 = arith.constant 1400 : i32
    %add3A_80 = arith.addi %mul3A_2, %add3A_79 : i32
    %dma_start3A_81 = arith.constant 7 : i32
    %dma_start3A_82 = arith.constant 0 : i32
    %dma_start3A_83 = tpu.memref_slice %arg5[%dma_start3A_81, %dma_start3A_82] : memref<8x200xi32, #tpu.memory_space<vmem>> -> memref<1x200xi32, #tpu.memory_space<vmem>>
    %dma_start3A_84 = tpu.memref_squeeze %dma_start3A_83 : memref<1x200xi32, #tpu.memory_space<vmem>> -> memref<200xi32, #tpu.memory_space<vmem>>
    %dma_start3A_85 = tpu.memref_slice %arg2[%add3A_80] : memref<819200xi32, #tpu.memory_space<hbm>> -> memref<200xi32, #tpu.memory_space<hbm>>
    %dma_start3A_86 = arith.constant 0 : i32
    %dma_start3A_87 = tpu.memref_slice %arg5[%dma_start3A_81, %dma_start3A_86] : memref<8x200xi32, #tpu.memory_space<vmem>> -> memref<1x200xi32, #tpu.memory_space<vmem>>
    %dma_start3A_88 = tpu.memref_squeeze %dma_start3A_87 : memref<1x200xi32, #tpu.memory_space<vmem>> -> memref<200xi32, #tpu.memory_space<vmem>>
    %dma_start3A_89 = tpu.memref_slice %arg2[%add3A_80] : memref<819200xi32, #tpu.memory_space<hbm>> -> memref<200xi32, #tpu.memory_space<hbm>>
    tpu.enqueue_dma source(%dma_start3A_89 : memref<200xi32, #tpu.memory_space<hbm>>) target(%dma_start3A_88 : memref<200xi32, #tpu.memory_space<vmem>>) target_semaphore(%arg14 : memref<!tpu.dma_semaphore, #tpu.memory_space<semaphore_mem>>)
    %scan3A = arith.constant 0 : i32
    %scan3A_90 = arith.constant 0 : i32
    %scan3A_91 = arith.constant 16 : i32
    %scan3A_92 = arith.addi %scan3A_90, %scan3A_91 : i32
    %scan3A_93 = arith.constant 1 : i32
    scf.for %scan3A_214 = %scan3A_90 to %scan3A_92 step %scan3A_93  : i32 {
      %mul3A_215 = arith.constant 8 : i32
      %mul3A_216 = arith.muli %scan3A_214, %mul3A_215 : i32
      %add3A_217 = arith.constant 0 : i32
      %add3A_218 = arith.addi %mul3A_216, %add3A_217 : i32
      %gt3A = arith.constant 0 : i32
      %gt3A_219 = arith.cmpi sgt, %scan3A_214, %gt3A : i32
      %convert_element_type3A = arith.extui %gt3A_219 : i1 to i32
      %cond3A = arith.constant 0 : i32
      %cond3A_220 = arith.cmpi ne, %convert_element_type3A, %cond3A : i32
      scf.if %cond3A_220 {
        %sub3A = arith.constant 8 : i32
        %sub3A_757 = arith.subi %add3A_218, %sub3A : i32
        %mul3A_758 = arith.constant 200 : i32
        %mul3A_759 = arith.muli %sub3A_757, %mul3A_758 : i32
        %add3A_760 = arith.addi %mul3A_2, %mul3A_759 : i32
        %dma_wait3A_761 = arith.constant 0 : i32
        %dma_wait3A_762 = arith.constant 0 : i32
        %dma_wait3A_763 = arith.constant 0 : i32
        %dma_wait3A_764 = tpu.memref_slice %arg6[%dma_wait3A_761, %dma_wait3A_762, %dma_wait3A_763] : memref<8x200x64xf32, #tpu.memory_space<vmem>> -> memref<1x200x64xf32, #tpu.memory_space<vmem>>
        %dma_wait3A_765 = tpu.memref_squeeze %dma_wait3A_764 : memref<1x200x64xf32, #tpu.memory_space<vmem>> -> memref<200x64xf32, #tpu.memory_space<vmem>>
        %dma_wait3A_766 = arith.constant 0 : i32
        %dma_wait3A_767 = tpu.memref_slice %arg4[%add3A_760, %dma_wait3A_766] : memref<819200x64xf32, #tpu.memory_space<hbm>> -> memref<200x64xf32, #tpu.memory_space<hbm>>
        %dma_wait3A_768 = arith.constant 0 : i32
        %dma_wait3A_769 = tpu.memref_slice %arg4[%add3A_760, %dma_wait3A_768] : memref<819200x64xf32, #tpu.memory_space<hbm>> -> memref<200x64xf32, #tpu.memory_space<hbm>>
        %dma_wait3A_770 = arith.constant 0 : i32
        %dma_wait3A_771 = arith.constant 0 : i32
        %dma_wait3A_772 = tpu.memref_slice %arg6[%dma_wait3A_761, %dma_wait3A_770, %dma_wait3A_771] : memref<8x200x64xf32, #tpu.memory_space<vmem>> -> memref<1x200x64xf32, #tpu.memory_space<vmem>>
        %dma_wait3A_773 = tpu.memref_squeeze %dma_wait3A_772 : memref<1x200x64xf32, #tpu.memory_space<vmem>> -> memref<200x64xf32, #tpu.memory_space<vmem>>
        tpu.wait_dma2 semaphore(%arg23 : memref<!tpu.dma_semaphore, #tpu.memory_space<semaphore_mem>>) src(%dma_wait3A_773 : memref<200x64xf32, #tpu.memory_space<vmem>>) dst(%dma_wait3A_769 : memref<200x64xf32, #tpu.memory_space<hbm>>)
      } else {
      }
      %mul3A_221 = arith.constant 200 : i32
      %mul3A_222 = arith.muli %add3A_218, %mul3A_221 : i32
      %add3A_223 = arith.addi %mul3A_2, %mul3A_222 : i32
      %dma_wait3A_224 = arith.constant 0 : i32
      %dma_wait3A_225 = arith.constant 0 : i32
      %dma_wait3A_226 = tpu.memref_slice %arg5[%dma_wait3A_224, %dma_wait3A_225] : memref<8x200xi32, #tpu.memory_space<vmem>> -> memref<1x200xi32, #tpu.memory_space<vmem>>
      %dma_wait3A_227 = tpu.memref_squeeze %dma_wait3A_226 : memref<1x200xi32, #tpu.memory_space<vmem>> -> memref<200xi32, #tpu.memory_space<vmem>>
      %dma_wait3A_228 = tpu.memref_slice %arg2[%add3A_223] : memref<819200xi32, #tpu.memory_space<hbm>> -> memref<200xi32, #tpu.memory_space<hbm>>
      %dma_wait3A_229 = arith.constant 0 : i32
      %dma_wait3A_230 = tpu.memref_slice %arg5[%dma_wait3A_224, %dma_wait3A_229] : memref<8x200xi32, #tpu.memory_space<vmem>> -> memref<1x200xi32, #tpu.memory_space<vmem>>
      %dma_wait3A_231 = tpu.memref_squeeze %dma_wait3A_230 : memref<1x200xi32, #tpu.memory_space<vmem>> -> memref<200xi32, #tpu.memory_space<vmem>>
      %dma_wait3A_232 = tpu.memref_slice %arg2[%add3A_223] : memref<819200xi32, #tpu.memory_space<hbm>> -> memref<200xi32, #tpu.memory_space<hbm>>
      tpu.wait_dma2 semaphore(%arg7 : memref<!tpu.dma_semaphore, #tpu.memory_space<semaphore_mem>>) src(%dma_wait3A_232 : memref<200xi32, #tpu.memory_space<hbm>>) dst(%dma_wait3A_231 : memref<200xi32, #tpu.memory_space<vmem>>)
      %dma_start3A_233 = arith.constant 0 : i32
      %dma_start3A_234 = arith.constant 0 : i32
      %dma_start3A_235 = arith.constant 0 : i32
      %dma_start3A_236 = arith.constant 0 : i32
      %dma_start3A_237 = tpu.memref_slice %arg6[%dma_start3A_234, %dma_start3A_235, %dma_start3A_236] : memref<8x200x64xf32, #tpu.memory_space<vmem>> -> memref<1x200x64xf32, #tpu.memory_space<vmem>>
      %dma_start3A_238 = tpu.memref_squeeze %dma_start3A_237 : memref<1x200x64xf32, #tpu.memory_space<vmem>> -> memref<200x64xf32, #tpu.memory_space<vmem>>
      %dma_start3A_239 = arith.constant 0 : i32
      %dma_start3A_240 = tpu.memref_slice %arg5[%dma_start3A_233, %dma_start3A_239] : memref<8x200xi32, #tpu.memory_space<vmem>> -> memref<1x200xi32, #tpu.memory_space<vmem>>
      %dma_start3A_241 = tpu.memref_squeeze %dma_start3A_240 : memref<1x200xi32, #tpu.memory_space<vmem>> -> memref<200xi32, #tpu.memory_space<vmem>>
      %dma_start3A_242 = arith.constant 0 : i32
      %dma_start3A_243 = arith.constant 0 : i32
      %dma_start3A_244 = tpu.memref_slice %arg3[%dma_start3A_242, %dma_start3A_243] : memref<1000000x64xf32, #tpu.memory_space<hbm>> -> memref<1000000x64xf32, #tpu.memory_space<hbm>>
      tpu.enqueue_indirect_dma source(%dma_start3A_244 : memref<1000000x64xf32, #tpu.memory_space<hbm>>) target(%dma_start3A_238 : memref<200x64xf32, #tpu.memory_space<vmem>>) offsets(%dma_start3A_241 : memref<200xi32, #tpu.memory_space<vmem>>) semaphore(%arg15 : memref<!tpu.dma_semaphore, #tpu.memory_space<semaphore_mem>>)
      %add3A_245 = arith.constant 1 : i32
      %add3A_246 = arith.addi %mul3A_216, %add3A_245 : i32
      %gt3A_247 = arith.constant 0 : i32
      %gt3A_248 = arith.cmpi sgt, %scan3A_214, %gt3A_247 : i32
      %convert_element_type3A_249 = arith.extui %gt3A_248 : i1 to i32
      %cond3A_250 = arith.constant 0 : i32
      %cond3A_251 = arith.cmpi ne, %convert_element_type3A_249, %cond3A_250 : i32
      scf.if %cond3A_251 {
        %sub3A = arith.constant 8 : i32
        %sub3A_757 = arith.subi %add3A_246, %sub3A : i32
        %mul3A_758 = arith.constant 200 : i32
        %mul3A_759 = arith.muli %sub3A_757, %mul3A_758 : i32
        %add3A_760 = arith.addi %mul3A_2, %mul3A_759 : i32
        %dma_wait3A_761 = arith.constant 1 : i32
        %dma_wait3A_762 = arith.constant 0 : i32
        %dma_wait3A_763 = arith.constant 0 : i32
        %dma_wait3A_764 = tpu.memref_slice %arg6[%dma_wait3A_761, %dma_wait3A_762, %dma_wait3A_763] : memref<8x200x64xf32, #tpu.memory_space<vmem>> -> memref<1x200x64xf32, #tpu.memory_space<vmem>>
        %dma_wait3A_765 = tpu.memref_squeeze %dma_wait3A_764 : memref<1x200x64xf32, #tpu.memory_space<vmem>> -> memref<200x64xf32, #tpu.memory_space<vmem>>
        %dma_wait3A_766 = arith.constant 0 : i32
        %dma_wait3A_767 = tpu.memref_slice %arg4[%add3A_760, %dma_wait3A_766] : memref<819200x64xf32, #tpu.memory_space<hbm>> -> memref<200x64xf32, #tpu.memory_space<hbm>>
        %dma_wait3A_768 = arith.constant 0 : i32
        %dma_wait3A_769 = tpu.memref_slice %arg4[%add3A_760, %dma_wait3A_768] : memref<819200x64xf32, #tpu.memory_space<hbm>> -> memref<200x64xf32, #tpu.memory_space<hbm>>
        %dma_wait3A_770 = arith.constant 0 : i32
        %dma_wait3A_771 = arith.constant 0 : i32
        %dma_wait3A_772 = tpu.memref_slice %arg6[%dma_wait3A_761, %dma_wait3A_770, %dma_wait3A_771] : memref<8x200x64xf32, #tpu.memory_space<vmem>> -> memref<1x200x64xf32, #tpu.memory_space<vmem>>
        %dma_wait3A_773 = tpu.memref_squeeze %dma_wait3A_772 : memref<1x200x64xf32, #tpu.memory_space<vmem>> -> memref<200x64xf32, #tpu.memory_space<vmem>>
        tpu.wait_dma2 semaphore(%arg24 : memref<!tpu.dma_semaphore, #tpu.memory_space<semaphore_mem>>) src(%dma_wait3A_773 : memref<200x64xf32, #tpu.memory_space<vmem>>) dst(%dma_wait3A_769 : memref<200x64xf32, #tpu.memory_space<hbm>>)
      } else {
      }
      %mul3A_252 = arith.constant 200 : i32
      %mul3A_253 = arith.muli %add3A_246, %mul3A_252 : i32
      %add3A_254 = arith.addi %mul3A_2, %mul3A_253 : i32
      %dma_wait3A_255 = arith.constant 1 : i32
      %dma_wait3A_256 = arith.constant 0 : i32
      %dma_wait3A_257 = tpu.memref_slice %arg5[%dma_wait3A_255, %dma_wait3A_256] : memref<8x200xi32, #tpu.memory_space<vmem>> -> memref<1x200xi32, #tpu.memory_space<vmem>>
      %dma_wait3A_258 = tpu.memref_squeeze %dma_wait3A_257 : memref<1x200xi32, #tpu.memory_space<vmem>> -> memref<200xi32, #tpu.memory_space<vmem>>
      %dma_wait3A_259 = tpu.memref_slice %arg2[%add3A_254] : memref<819200xi32, #tpu.memory_space<hbm>> -> memref<200xi32, #tpu.memory_space<hbm>>
      %dma_wait3A_260 = arith.constant 0 : i32
      %dma_wait3A_261 = tpu.memref_slice %arg5[%dma_wait3A_255, %dma_wait3A_260] : memref<8x200xi32, #tpu.memory_space<vmem>> -> memref<1x200xi32, #tpu.memory_space<vmem>>
      %dma_wait3A_262 = tpu.memref_squeeze %dma_wait3A_261 : memref<1x200xi32, #tpu.memory_space<vmem>> -> memref<200xi32, #tpu.memory_space<vmem>>
      %dma_wait3A_263 = tpu.memref_slice %arg2[%add3A_254] : memref<819200xi32, #tpu.memory_space<hbm>> -> memref<200xi32, #tpu.memory_space<hbm>>
      tpu.wait_dma2 semaphore(%arg8 : memref<!tpu.dma_semaphore, #tpu.memory_space<semaphore_mem>>) src(%dma_wait3A_263 : memref<200xi32, #tpu.memory_space<hbm>>) dst(%dma_wait3A_262 : memref<200xi32, #tpu.memory_space<vmem>>)
      %dma_start3A_264 = arith.constant 1 : i32
      %dma_start3A_265 = arith.constant 1 : i32
      %dma_start3A_266 = arith.constant 0 : i32
      %dma_start3A_267 = arith.constant 0 : i32
      %dma_start3A_268 = tpu.memref_slice %arg6[%dma_start3A_265, %dma_start3A_266, %dma_start3A_267] : memref<8x200x64xf32, #tpu.memory_space<vmem>> -> memref<1x200x64xf32, #tpu.memory_space<vmem>>
      %dma_start3A_269 = tpu.memref_squeeze %dma_start3A_268 : memref<1x200x64xf32, #tpu.memory_space<vmem>> -> memref<200x64xf32, #tpu.memory_space<vmem>>
      %dma_start3A_270 = arith.constant 0 : i32
      %dma_start3A_271 = tpu.memref_slice %arg5[%dma_start3A_264, %dma_start3A_270] : memref<8x200xi32, #tpu.memory_space<vmem>> -> memref<1x200xi32, #tpu.memory_space<vmem>>
      %dma_start3A_272 = tpu.memref_squeeze %dma_start3A_271 : memref<1x200xi32, #tpu.memory_space<vmem>> -> memref<200xi32, #tpu.memory_space<vmem>>
      %dma_start3A_273 = arith.constant 0 : i32
      %dma_start3A_274 = arith.constant 0 : i32
      %dma_start3A_275 = tpu.memref_slice %arg3[%dma_start3A_273, %dma_start3A_274] : memref<1000000x64xf32, #tpu.memory_space<hbm>> -> memref<1000000x64xf32, #tpu.memory_space<hbm>>
      tpu.enqueue_indirect_dma source(%dma_start3A_275 : memref<1000000x64xf32, #tpu.memory_space<hbm>>) target(%dma_start3A_269 : memref<200x64xf32, #tpu.memory_space<vmem>>) offsets(%dma_start3A_272 : memref<200xi32, #tpu.memory_space<vmem>>) semaphore(%arg16 : memref<!tpu.dma_semaphore, #tpu.memory_space<semaphore_mem>>)
      %add3A_276 = arith.constant 2 : i32
      %add3A_277 = arith.addi %mul3A_216, %add3A_276 : i32
      %gt3A_278 = arith.constant 0 : i32
      %gt3A_279 = arith.cmpi sgt, %scan3A_214, %gt3A_278 : i32
      %convert_element_type3A_280 = arith.extui %gt3A_279 : i1 to i32
      %cond3A_281 = arith.constant 0 : i32
      %cond3A_282 = arith.cmpi ne, %convert_element_type3A_280, %cond3A_281 : i32
      scf.if %cond3A_282 {
        %sub3A = arith.constant 8 : i32
        %sub3A_757 = arith.subi %add3A_277, %sub3A : i32
        %mul3A_758 = arith.constant 200 : i32
        %mul3A_759 = arith.muli %sub3A_757, %mul3A_758 : i32
        %add3A_760 = arith.addi %mul3A_2, %mul3A_759 : i32
        %dma_wait3A_761 = arith.constant 2 : i32
        %dma_wait3A_762 = arith.constant 0 : i32
        %dma_wait3A_763 = arith.constant 0 : i32
        %dma_wait3A_764 = tpu.memref_slice %arg6[%dma_wait3A_761, %dma_wait3A_762, %dma_wait3A_763] : memref<8x200x64xf32, #tpu.memory_space<vmem>> -> memref<1x200x64xf32, #tpu.memory_space<vmem>>
        %dma_wait3A_765 = tpu.memref_squeeze %dma_wait3A_764 : memref<1x200x64xf32, #tpu.memory_space<vmem>> -> memref<200x64xf32, #tpu.memory_space<vmem>>
        %dma_wait3A_766 = arith.constant 0 : i32
        %dma_wait3A_767 = tpu.memref_slice %arg4[%add3A_760, %dma_wait3A_766] : memref<819200x64xf32, #tpu.memory_space<hbm>> -> memref<200x64xf32, #tpu.memory_space<hbm>>
        %dma_wait3A_768 = arith.constant 0 : i32
        %dma_wait3A_769 = tpu.memref_slice %arg4[%add3A_760, %dma_wait3A_768] : memref<819200x64xf32, #tpu.memory_space<hbm>> -> memref<200x64xf32, #tpu.memory_space<hbm>>
        %dma_wait3A_770 = arith.constant 0 : i32
        %dma_wait3A_771 = arith.constant 0 : i32
        %dma_wait3A_772 = tpu.memref_slice %arg6[%dma_wait3A_761, %dma_wait3A_770, %dma_wait3A_771] : memref<8x200x64xf32, #tpu.memory_space<vmem>> -> memref<1x200x64xf32, #tpu.memory_space<vmem>>
        %dma_wait3A_773 = tpu.memref_squeeze %dma_wait3A_772 : memref<1x200x64xf32, #tpu.memory_space<vmem>> -> memref<200x64xf32, #tpu.memory_space<vmem>>
        tpu.wait_dma2 semaphore(%arg25 : memref<!tpu.dma_semaphore, #tpu.memory_space<semaphore_mem>>) src(%dma_wait3A_773 : memref<200x64xf32, #tpu.memory_space<vmem>>) dst(%dma_wait3A_769 : memref<200x64xf32, #tpu.memory_space<hbm>>)
      } else {
      }
      %mul3A_283 = arith.constant 200 : i32
      %mul3A_284 = arith.muli %add3A_277, %mul3A_283 : i32
      %add3A_285 = arith.addi %mul3A_2, %mul3A_284 : i32
      %dma_wait3A_286 = arith.constant 2 : i32
      %dma_wait3A_287 = arith.constant 0 : i32
      %dma_wait3A_288 = tpu.memref_slice %arg5[%dma_wait3A_286, %dma_wait3A_287] : memref<8x200xi32, #tpu.memory_space<vmem>> -> memref<1x200xi32, #tpu.memory_space<vmem>>
      %dma_wait3A_289 = tpu.memref_squeeze %dma_wait3A_288 : memref<1x200xi32, #tpu.memory_space<vmem>> -> memref<200xi32, #tpu.memory_space<vmem>>
      %dma_wait3A_290 = tpu.memref_slice %arg2[%add3A_285] : memref<819200xi32, #tpu.memory_space<hbm>> -> memref<200xi32, #tpu.memory_space<hbm>>
      %dma_wait3A_291 = arith.constant 0 : i32
      %dma_wait3A_292 = tpu.memref_slice %arg5[%dma_wait3A_286, %dma_wait3A_291] : memref<8x200xi32, #tpu.memory_space<vmem>> -> memref<1x200xi32, #tpu.memory_space<vmem>>
      %dma_wait3A_293 = tpu.memref_squeeze %dma_wait3A_292 : memref<1x200xi32, #tpu.memory_space<vmem>> -> memref<200xi32, #tpu.memory_space<vmem>>
      %dma_wait3A_294 = tpu.memref_slice %arg2[%add3A_285] : memref<819200xi32, #tpu.memory_space<hbm>> -> memref<200xi32, #tpu.memory_space<hbm>>
      tpu.wait_dma2 semaphore(%arg9 : memref<!tpu.dma_semaphore, #tpu.memory_space<semaphore_mem>>) src(%dma_wait3A_294 : memref<200xi32, #tpu.memory_space<hbm>>) dst(%dma_wait3A_293 : memref<200xi32, #tpu.memory_space<vmem>>)
      %dma_start3A_295 = arith.constant 2 : i32
      %dma_start3A_296 = arith.constant 2 : i32
      %dma_start3A_297 = arith.constant 0 : i32
      %dma_start3A_298 = arith.constant 0 : i32
      %dma_start3A_299 = tpu.memref_slice %arg6[%dma_start3A_296, %dma_start3A_297, %dma_start3A_298] : memref<8x200x64xf32, #tpu.memory_space<vmem>> -> memref<1x200x64xf32, #tpu.memory_space<vmem>>
      %dma_start3A_300 = tpu.memref_squeeze %dma_start3A_299 : memref<1x200x64xf32, #tpu.memory_space<vmem>> -> memref<200x64xf32, #tpu.memory_space<vmem>>
      %dma_start3A_301 = arith.constant 0 : i32
      %dma_start3A_302 = tpu.memref_slice %arg5[%dma_start3A_295, %dma_start3A_301] : memref<8x200xi32, #tpu.memory_space<vmem>> -> memref<1x200xi32, #tpu.memory_space<vmem>>
      %dma_start3A_303 = tpu.memref_squeeze %dma_start3A_302 : memref<1x200xi32, #tpu.memory_space<vmem>> -> memref<200xi32, #tpu.memory_space<vmem>>
      %dma_start3A_304 = arith.constant 0 : i32
      %dma_start3A_305 = arith.constant 0 : i32
      %dma_start3A_306 = tpu.memref_slice %arg3[%dma_start3A_304, %dma_start3A_305] : memref<1000000x64xf32, #tpu.memory_space<hbm>> -> memref<1000000x64xf32, #tpu.memory_space<hbm>>
      tpu.enqueue_indirect_dma source(%dma_start3A_306 : memref<1000000x64xf32, #tpu.memory_space<hbm>>) target(%dma_start3A_300 : memref<200x64xf32, #tpu.memory_space<vmem>>) offsets(%dma_start3A_303 : memref<200xi32, #tpu.memory_space<vmem>>) semaphore(%arg17 : memref<!tpu.dma_semaphore, #tpu.memory_space<semaphore_mem>>)
      %add3A_307 = arith.constant 3 : i32
      %add3A_308 = arith.addi %mul3A_216, %add3A_307 : i32
      %gt3A_309 = arith.constant 0 : i32
      %gt3A_310 = arith.cmpi sgt, %scan3A_214, %gt3A_309 : i32
      %convert_element_type3A_311 = arith.extui %gt3A_310 : i1 to i32
      %cond3A_312 = arith.constant 0 : i32
      %cond3A_313 = arith.cmpi ne, %convert_element_type3A_311, %cond3A_312 : i32
      scf.if %cond3A_313 {
        %sub3A = arith.constant 8 : i32
        %sub3A_757 = arith.subi %add3A_308, %sub3A : i32
        %mul3A_758 = arith.constant 200 : i32
        %mul3A_759 = arith.muli %sub3A_757, %mul3A_758 : i32
        %add3A_760 = arith.addi %mul3A_2, %mul3A_759 : i32
        %dma_wait3A_761 = arith.constant 3 : i32
        %dma_wait3A_762 = arith.constant 0 : i32
        %dma_wait3A_763 = arith.constant 0 : i32
        %dma_wait3A_764 = tpu.memref_slice %arg6[%dma_wait3A_761, %dma_wait3A_762, %dma_wait3A_763] : memref<8x200x64xf32, #tpu.memory_space<vmem>> -> memref<1x200x64xf32, #tpu.memory_space<vmem>>
        %dma_wait3A_765 = tpu.memref_squeeze %dma_wait3A_764 : memref<1x200x64xf32, #tpu.memory_space<vmem>> -> memref<200x64xf32, #tpu.memory_space<vmem>>
        %dma_wait3A_766 = arith.constant 0 : i32
        %dma_wait3A_767 = tpu.memref_slice %arg4[%add3A_760, %dma_wait3A_766] : memref<819200x64xf32, #tpu.memory_space<hbm>> -> memref<200x64xf32, #tpu.memory_space<hbm>>
        %dma_wait3A_768 = arith.constant 0 : i32
        %dma_wait3A_769 = tpu.memref_slice %arg4[%add3A_760, %dma_wait3A_768] : memref<819200x64xf32, #tpu.memory_space<hbm>> -> memref<200x64xf32, #tpu.memory_space<hbm>>
        %dma_wait3A_770 = arith.constant 0 : i32
        %dma_wait3A_771 = arith.constant 0 : i32
        %dma_wait3A_772 = tpu.memref_slice %arg6[%dma_wait3A_761, %dma_wait3A_770, %dma_wait3A_771] : memref<8x200x64xf32, #tpu.memory_space<vmem>> -> memref<1x200x64xf32, #tpu.memory_space<vmem>>
        %dma_wait3A_773 = tpu.memref_squeeze %dma_wait3A_772 : memref<1x200x64xf32, #tpu.memory_space<vmem>> -> memref<200x64xf32, #tpu.memory_space<vmem>>
        tpu.wait_dma2 semaphore(%arg26 : memref<!tpu.dma_semaphore, #tpu.memory_space<semaphore_mem>>) src(%dma_wait3A_773 : memref<200x64xf32, #tpu.memory_space<vmem>>) dst(%dma_wait3A_769 : memref<200x64xf32, #tpu.memory_space<hbm>>)
      } else {
      }
      %mul3A_314 = arith.constant 200 : i32
      %mul3A_315 = arith.muli %add3A_308, %mul3A_314 : i32
      %add3A_316 = arith.addi %mul3A_2, %mul3A_315 : i32
      %dma_wait3A_317 = arith.constant 3 : i32
      %dma_wait3A_318 = arith.constant 0 : i32
      %dma_wait3A_319 = tpu.memref_slice %arg5[%dma_wait3A_317, %dma_wait3A_318] : memref<8x200xi32, #tpu.memory_space<vmem>> -> memref<1x200xi32, #tpu.memory_space<vmem>>
      %dma_wait3A_320 = tpu.memref_squeeze %dma_wait3A_319 : memref<1x200xi32, #tpu.memory_space<vmem>> -> memref<200xi32, #tpu.memory_space<vmem>>
      %dma_wait3A_321 = tpu.memref_slice %arg2[%add3A_316] : memref<819200xi32, #tpu.memory_space<hbm>> -> memref<200xi32, #tpu.memory_space<hbm>>
      %dma_wait3A_322 = arith.constant 0 : i32
      %dma_wait3A_323 = tpu.memref_slice %arg5[%dma_wait3A_317, %dma_wait3A_322] : memref<8x200xi32, #tpu.memory_space<vmem>> -> memref<1x200xi32, #tpu.memory_space<vmem>>
      %dma_wait3A_324 = tpu.memref_squeeze %dma_wait3A_323 : memref<1x200xi32, #tpu.memory_space<vmem>> -> memref<200xi32, #tpu.memory_space<vmem>>
      %dma_wait3A_325 = tpu.memref_slice %arg2[%add3A_316] : memref<819200xi32, #tpu.memory_space<hbm>> -> memref<200xi32, #tpu.memory_space<hbm>>
      tpu.wait_dma2 semaphore(%arg10 : memref<!tpu.dma_semaphore, #tpu.memory_space<semaphore_mem>>) src(%dma_wait3A_325 : memref<200xi32, #tpu.memory_space<hbm>>) dst(%dma_wait3A_324 : memref<200xi32, #tpu.memory_space<vmem>>)
      %dma_start3A_326 = arith.constant 3 : i32
      %dma_start3A_327 = arith.constant 3 : i32
      %dma_start3A_328 = arith.constant 0 : i32
      %dma_start3A_329 = arith.constant 0 : i32
      %dma_start3A_330 = tpu.memref_slice %arg6[%dma_start3A_327, %dma_start3A_328, %dma_start3A_329] : memref<8x200x64xf32, #tpu.memory_space<vmem>> -> memref<1x200x64xf32, #tpu.memory_space<vmem>>
      %dma_start3A_331 = tpu.memref_squeeze %dma_start3A_330 : memref<1x200x64xf32, #tpu.memory_space<vmem>> -> memref<200x64xf32, #tpu.memory_space<vmem>>
      %dma_start3A_332 = arith.constant 0 : i32
      %dma_start3A_333 = tpu.memref_slice %arg5[%dma_start3A_326, %dma_start3A_332] : memref<8x200xi32, #tpu.memory_space<vmem>> -> memref<1x200xi32, #tpu.memory_space<vmem>>
      %dma_start3A_334 = tpu.memref_squeeze %dma_start3A_333 : memref<1x200xi32, #tpu.memory_space<vmem>> -> memref<200xi32, #tpu.memory_space<vmem>>
      %dma_start3A_335 = arith.constant 0 : i32
      %dma_start3A_336 = arith.constant 0 : i32
      %dma_start3A_337 = tpu.memref_slice %arg3[%dma_start3A_335, %dma_start3A_336] : memref<1000000x64xf32, #tpu.memory_space<hbm>> -> memref<1000000x64xf32, #tpu.memory_space<hbm>>
      tpu.enqueue_indirect_dma source(%dma_start3A_337 : memref<1000000x64xf32, #tpu.memory_space<hbm>>) target(%dma_start3A_331 : memref<200x64xf32, #tpu.memory_space<vmem>>) offsets(%dma_start3A_334 : memref<200xi32, #tpu.memory_space<vmem>>) semaphore(%arg18 : memref<!tpu.dma_semaphore, #tpu.memory_space<semaphore_mem>>)
      %add3A_338 = arith.constant 4 : i32
      %add3A_339 = arith.addi %mul3A_216, %add3A_338 : i32
      %gt3A_340 = arith.constant 0 : i32
      %gt3A_341 = arith.cmpi sgt, %scan3A_214, %gt3A_340 : i32
      %convert_element_type3A_342 = arith.extui %gt3A_341 : i1 to i32
      %cond3A_343 = arith.constant 0 : i32
      %cond3A_344 = arith.cmpi ne, %convert_element_type3A_342, %cond3A_343 : i32
      scf.if %cond3A_344 {
        %sub3A = arith.constant 8 : i32
        %sub3A_757 = arith.subi %add3A_339, %sub3A : i32
        %mul3A_758 = arith.constant 200 : i32
        %mul3A_759 = arith.muli %sub3A_757, %mul3A_758 : i32
        %add3A_760 = arith.addi %mul3A_2, %mul3A_759 : i32
        %dma_wait3A_761 = arith.constant 4 : i32
        %dma_wait3A_762 = arith.constant 0 : i32
        %dma_wait3A_763 = arith.constant 0 : i32
        %dma_wait3A_764 = tpu.memref_slice %arg6[%dma_wait3A_761, %dma_wait3A_762, %dma_wait3A_763] : memref<8x200x64xf32, #tpu.memory_space<vmem>> -> memref<1x200x64xf32, #tpu.memory_space<vmem>>
        %dma_wait3A_765 = tpu.memref_squeeze %dma_wait3A_764 : memref<1x200x64xf32, #tpu.memory_space<vmem>> -> memref<200x64xf32, #tpu.memory_space<vmem>>
        %dma_wait3A_766 = arith.constant 0 : i32
        %dma_wait3A_767 = tpu.memref_slice %arg4[%add3A_760, %dma_wait3A_766] : memref<819200x64xf32, #tpu.memory_space<hbm>> -> memref<200x64xf32, #tpu.memory_space<hbm>>
        %dma_wait3A_768 = arith.constant 0 : i32
        %dma_wait3A_769 = tpu.memref_slice %arg4[%add3A_760, %dma_wait3A_768] : memref<819200x64xf32, #tpu.memory_space<hbm>> -> memref<200x64xf32, #tpu.memory_space<hbm>>
        %dma_wait3A_770 = arith.constant 0 : i32
        %dma_wait3A_771 = arith.constant 0 : i32
        %dma_wait3A_772 = tpu.memref_slice %arg6[%dma_wait3A_761, %dma_wait3A_770, %dma_wait3A_771] : memref<8x200x64xf32, #tpu.memory_space<vmem>> -> memref<1x200x64xf32, #tpu.memory_space<vmem>>
        %dma_wait3A_773 = tpu.memref_squeeze %dma_wait3A_772 : memref<1x200x64xf32, #tpu.memory_space<vmem>> -> memref<200x64xf32, #tpu.memory_space<vmem>>
        tpu.wait_dma2 semaphore(%arg27 : memref<!tpu.dma_semaphore, #tpu.memory_space<semaphore_mem>>) src(%dma_wait3A_773 : memref<200x64xf32, #tpu.memory_space<vmem>>) dst(%dma_wait3A_769 : memref<200x64xf32, #tpu.memory_space<hbm>>)
      } else {
      }
      %mul3A_345 = arith.constant 200 : i32
      %mul3A_346 = arith.muli %add3A_339, %mul3A_345 : i32
      %add3A_347 = arith.addi %mul3A_2, %mul3A_346 : i32
      %dma_wait3A_348 = arith.constant 4 : i32
      %dma_wait3A_349 = arith.constant 0 : i32
      %dma_wait3A_350 = tpu.memref_slice %arg5[%dma_wait3A_348, %dma_wait3A_349] : memref<8x200xi32, #tpu.memory_space<vmem>> -> memref<1x200xi32, #tpu.memory_space<vmem>>
      %dma_wait3A_351 = tpu.memref_squeeze %dma_wait3A_350 : memref<1x200xi32, #tpu.memory_space<vmem>> -> memref<200xi32, #tpu.memory_space<vmem>>
      %dma_wait3A_352 = tpu.memref_slice %arg2[%add3A_347] : memref<819200xi32, #tpu.memory_space<hbm>> -> memref<200xi32, #tpu.memory_space<hbm>>
      %dma_wait3A_353 = arith.constant 0 : i32
      %dma_wait3A_354 = tpu.memref_slice %arg5[%dma_wait3A_348, %dma_wait3A_353] : memref<8x200xi32, #tpu.memory_space<vmem>> -> memref<1x200xi32, #tpu.memory_space<vmem>>
      %dma_wait3A_355 = tpu.memref_squeeze %dma_wait3A_354 : memref<1x200xi32, #tpu.memory_space<vmem>> -> memref<200xi32, #tpu.memory_space<vmem>>
      %dma_wait3A_356 = tpu.memref_slice %arg2[%add3A_347] : memref<819200xi32, #tpu.memory_space<hbm>> -> memref<200xi32, #tpu.memory_space<hbm>>
      tpu.wait_dma2 semaphore(%arg11 : memref<!tpu.dma_semaphore, #tpu.memory_space<semaphore_mem>>) src(%dma_wait3A_356 : memref<200xi32, #tpu.memory_space<hbm>>) dst(%dma_wait3A_355 : memref<200xi32, #tpu.memory_space<vmem>>)
      %dma_start3A_357 = arith.constant 4 : i32
      %dma_start3A_358 = arith.constant 4 : i32
      %dma_start3A_359 = arith.constant 0 : i32
      %dma_start3A_360 = arith.constant 0 : i32
      %dma_start3A_361 = tpu.memref_slice %arg6[%dma_start3A_358, %dma_start3A_359, %dma_start3A_360] : memref<8x200x64xf32, #tpu.memory_space<vmem>> -> memref<1x200x64xf32, #tpu.memory_space<vmem>>
      %dma_start3A_362 = tpu.memref_squeeze %dma_start3A_361 : memref<1x200x64xf32, #tpu.memory_space<vmem>> -> memref<200x64xf32, #tpu.memory_space<vmem>>
      %dma_start3A_363 = arith.constant 0 : i32
      %dma_start3A_364 = tpu.memref_slice %arg5[%dma_start3A_357, %dma_start3A_363] : memref<8x200xi32, #tpu.memory_space<vmem>> -> memref<1x200xi32, #tpu.memory_space<vmem>>
      %dma_start3A_365 = tpu.memref_squeeze %dma_start3A_364 : memref<1x200xi32, #tpu.memory_space<vmem>> -> memref<200xi32, #tpu.memory_space<vmem>>
      %dma_start3A_366 = arith.constant 0 : i32
      %dma_start3A_367 = arith.constant 0 : i32
      %dma_start3A_368 = tpu.memref_slice %arg3[%dma_start3A_366, %dma_start3A_367] : memref<1000000x64xf32, #tpu.memory_space<hbm>> -> memref<1000000x64xf32, #tpu.memory_space<hbm>>
      tpu.enqueue_indirect_dma source(%dma_start3A_368 : memref<1000000x64xf32, #tpu.memory_space<hbm>>) target(%dma_start3A_362 : memref<200x64xf32, #tpu.memory_space<vmem>>) offsets(%dma_start3A_365 : memref<200xi32, #tpu.memory_space<vmem>>) semaphore(%arg19 : memref<!tpu.dma_semaphore, #tpu.memory_space<semaphore_mem>>)
      %add3A_369 = arith.constant 5 : i32
      %add3A_370 = arith.addi %mul3A_216, %add3A_369 : i32
      %gt3A_371 = arith.constant 0 : i32
      %gt3A_372 = arith.cmpi sgt, %scan3A_214, %gt3A_371 : i32
      %convert_element_type3A_373 = arith.extui %gt3A_372 : i1 to i32
      %cond3A_374 = arith.constant 0 : i32
      %cond3A_375 = arith.cmpi ne, %convert_element_type3A_373, %cond3A_374 : i32
      scf.if %cond3A_375 {
        %sub3A = arith.constant 8 : i32
        %sub3A_757 = arith.subi %add3A_370, %sub3A : i32
        %mul3A_758 = arith.constant 200 : i32
        %mul3A_759 = arith.muli %sub3A_757, %mul3A_758 : i32
        %add3A_760 = arith.addi %mul3A_2, %mul3A_759 : i32
        %dma_wait3A_761 = arith.constant 5 : i32
        %dma_wait3A_762 = arith.constant 0 : i32
        %dma_wait3A_763 = arith.constant 0 : i32
        %dma_wait3A_764 = tpu.memref_slice %arg6[%dma_wait3A_761, %dma_wait3A_762, %dma_wait3A_763] : memref<8x200x64xf32, #tpu.memory_space<vmem>> -> memref<1x200x64xf32, #tpu.memory_space<vmem>>
        %dma_wait3A_765 = tpu.memref_squeeze %dma_wait3A_764 : memref<1x200x64xf32, #tpu.memory_space<vmem>> -> memref<200x64xf32, #tpu.memory_space<vmem>>
        %dma_wait3A_766 = arith.constant 0 : i32
        %dma_wait3A_767 = tpu.memref_slice %arg4[%add3A_760, %dma_wait3A_766] : memref<819200x64xf32, #tpu.memory_space<hbm>> -> memref<200x64xf32, #tpu.memory_space<hbm>>
        %dma_wait3A_768 = arith.constant 0 : i32
        %dma_wait3A_769 = tpu.memref_slice %arg4[%add3A_760, %dma_wait3A_768] : memref<819200x64xf32, #tpu.memory_space<hbm>> -> memref<200x64xf32, #tpu.memory_space<hbm>>
        %dma_wait3A_770 = arith.constant 0 : i32
        %dma_wait3A_771 = arith.constant 0 : i32
        %dma_wait3A_772 = tpu.memref_slice %arg6[%dma_wait3A_761, %dma_wait3A_770, %dma_wait3A_771] : memref<8x200x64xf32, #tpu.memory_space<vmem>> -> memref<1x200x64xf32, #tpu.memory_space<vmem>>
        %dma_wait3A_773 = tpu.memref_squeeze %dma_wait3A_772 : memref<1x200x64xf32, #tpu.memory_space<vmem>> -> memref<200x64xf32, #tpu.memory_space<vmem>>
        tpu.wait_dma2 semaphore(%arg28 : memref<!tpu.dma_semaphore, #tpu.memory_space<semaphore_mem>>) src(%dma_wait3A_773 : memref<200x64xf32, #tpu.memory_space<vmem>>) dst(%dma_wait3A_769 : memref<200x64xf32, #tpu.memory_space<hbm>>)
      } else {
      }
      %mul3A_376 = arith.constant 200 : i32
      %mul3A_377 = arith.muli %add3A_370, %mul3A_376 : i32
      %add3A_378 = arith.addi %mul3A_2, %mul3A_377 : i32
      %dma_wait3A_379 = arith.constant 5 : i32
      %dma_wait3A_380 = arith.constant 0 : i32
      %dma_wait3A_381 = tpu.memref_slice %arg5[%dma_wait3A_379, %dma_wait3A_380] : memref<8x200xi32, #tpu.memory_space<vmem>> -> memref<1x200xi32, #tpu.memory_space<vmem>>
      %dma_wait3A_382 = tpu.memref_squeeze %dma_wait3A_381 : memref<1x200xi32, #tpu.memory_space<vmem>> -> memref<200xi32, #tpu.memory_space<vmem>>
      %dma_wait3A_383 = tpu.memref_slice %arg2[%add3A_378] : memref<819200xi32, #tpu.memory_space<hbm>> -> memref<200xi32, #tpu.memory_space<hbm>>
      %dma_wait3A_384 = arith.constant 0 : i32
      %dma_wait3A_385 = tpu.memref_slice %arg5[%dma_wait3A_379, %dma_wait3A_384] : memref<8x200xi32, #tpu.memory_space<vmem>> -> memref<1x200xi32, #tpu.memory_space<vmem>>
      %dma_wait3A_386 = tpu.memref_squeeze %dma_wait3A_385 : memref<1x200xi32, #tpu.memory_space<vmem>> -> memref<200xi32, #tpu.memory_space<vmem>>
      %dma_wait3A_387 = tpu.memref_slice %arg2[%add3A_378] : memref<819200xi32, #tpu.memory_space<hbm>> -> memref<200xi32, #tpu.memory_space<hbm>>
      tpu.wait_dma2 semaphore(%arg12 : memref<!tpu.dma_semaphore, #tpu.memory_space<semaphore_mem>>) src(%dma_wait3A_387 : memref<200xi32, #tpu.memory_space<hbm>>) dst(%dma_wait3A_386 : memref<200xi32, #tpu.memory_space<vmem>>)
      %dma_start3A_388 = arith.constant 5 : i32
      %dma_start3A_389 = arith.constant 5 : i32
      %dma_start3A_390 = arith.constant 0 : i32
      %dma_start3A_391 = arith.constant 0 : i32
      %dma_start3A_392 = tpu.memref_slice %arg6[%dma_start3A_389, %dma_start3A_390, %dma_start3A_391] : memref<8x200x64xf32, #tpu.memory_space<vmem>> -> memref<1x200x64xf32, #tpu.memory_space<vmem>>
      %dma_start3A_393 = tpu.memref_squeeze %dma_start3A_392 : memref<1x200x64xf32, #tpu.memory_space<vmem>> -> memref<200x64xf32, #tpu.memory_space<vmem>>
      %dma_start3A_394 = arith.constant 0 : i32
      %dma_start3A_395 = tpu.memref_slice %arg5[%dma_start3A_388, %dma_start3A_394] : memref<8x200xi32, #tpu.memory_space<vmem>> -> memref<1x200xi32, #tpu.memory_space<vmem>>
      %dma_start3A_396 = tpu.memref_squeeze %dma_start3A_395 : memref<1x200xi32, #tpu.memory_space<vmem>> -> memref<200xi32, #tpu.memory_space<vmem>>
      %dma_start3A_397 = arith.constant 0 : i32
      %dma_start3A_398 = arith.constant 0 : i32
      %dma_start3A_399 = tpu.memref_slice %arg3[%dma_start3A_397, %dma_start3A_398] : memref<1000000x64xf32, #tpu.memory_space<hbm>> -> memref<1000000x64xf32, #tpu.memory_space<hbm>>
      tpu.enqueue_indirect_dma source(%dma_start3A_399 : memref<1000000x64xf32, #tpu.memory_space<hbm>>) target(%dma_start3A_393 : memref<200x64xf32, #tpu.memory_space<vmem>>) offsets(%dma_start3A_396 : memref<200xi32, #tpu.memory_space<vmem>>) semaphore(%arg20 : memref<!tpu.dma_semaphore, #tpu.memory_space<semaphore_mem>>)
      %add3A_400 = arith.constant 6 : i32
      %add3A_401 = arith.addi %mul3A_216, %add3A_400 : i32
      %gt3A_402 = arith.constant 0 : i32
      %gt3A_403 = arith.cmpi sgt, %scan3A_214, %gt3A_402 : i32
      %convert_element_type3A_404 = arith.extui %gt3A_403 : i1 to i32
      %cond3A_405 = arith.constant 0 : i32
      %cond3A_406 = arith.cmpi ne, %convert_element_type3A_404, %cond3A_405 : i32
      scf.if %cond3A_406 {
        %sub3A = arith.constant 8 : i32
        %sub3A_757 = arith.subi %add3A_401, %sub3A : i32
        %mul3A_758 = arith.constant 200 : i32
        %mul3A_759 = arith.muli %sub3A_757, %mul3A_758 : i32
        %add3A_760 = arith.addi %mul3A_2, %mul3A_759 : i32
        %dma_wait3A_761 = arith.constant 6 : i32
        %dma_wait3A_762 = arith.constant 0 : i32
        %dma_wait3A_763 = arith.constant 0 : i32
        %dma_wait3A_764 = tpu.memref_slice %arg6[%dma_wait3A_761, %dma_wait3A_762, %dma_wait3A_763] : memref<8x200x64xf32, #tpu.memory_space<vmem>> -> memref<1x200x64xf32, #tpu.memory_space<vmem>>
        %dma_wait3A_765 = tpu.memref_squeeze %dma_wait3A_764 : memref<1x200x64xf32, #tpu.memory_space<vmem>> -> memref<200x64xf32, #tpu.memory_space<vmem>>
        %dma_wait3A_766 = arith.constant 0 : i32
        %dma_wait3A_767 = tpu.memref_slice %arg4[%add3A_760, %dma_wait3A_766] : memref<819200x64xf32, #tpu.memory_space<hbm>> -> memref<200x64xf32, #tpu.memory_space<hbm>>
        %dma_wait3A_768 = arith.constant 0 : i32
        %dma_wait3A_769 = tpu.memref_slice %arg4[%add3A_760, %dma_wait3A_768] : memref<819200x64xf32, #tpu.memory_space<hbm>> -> memref<200x64xf32, #tpu.memory_space<hbm>>
        %dma_wait3A_770 = arith.constant 0 : i32
        %dma_wait3A_771 = arith.constant 0 : i32
        %dma_wait3A_772 = tpu.memref_slice %arg6[%dma_wait3A_761, %dma_wait3A_770, %dma_wait3A_771] : memref<8x200x64xf32, #tpu.memory_space<vmem>> -> memref<1x200x64xf32, #tpu.memory_space<vmem>>
        %dma_wait3A_773 = tpu.memref_squeeze %dma_wait3A_772 : memref<1x200x64xf32, #tpu.memory_space<vmem>> -> memref<200x64xf32, #tpu.memory_space<vmem>>
        tpu.wait_dma2 semaphore(%arg29 : memref<!tpu.dma_semaphore, #tpu.memory_space<semaphore_mem>>) src(%dma_wait3A_773 : memref<200x64xf32, #tpu.memory_space<vmem>>) dst(%dma_wait3A_769 : memref<200x64xf32, #tpu.memory_space<hbm>>)
      } else {
      }
      %mul3A_407 = arith.constant 200 : i32
      %mul3A_408 = arith.muli %add3A_401, %mul3A_407 : i32
      %add3A_409 = arith.addi %mul3A_2, %mul3A_408 : i32
      %dma_wait3A_410 = arith.constant 6 : i32
      %dma_wait3A_411 = arith.constant 0 : i32
      %dma_wait3A_412 = tpu.memref_slice %arg5[%dma_wait3A_410, %dma_wait3A_411] : memref<8x200xi32, #tpu.memory_space<vmem>> -> memref<1x200xi32, #tpu.memory_space<vmem>>
      %dma_wait3A_413 = tpu.memref_squeeze %dma_wait3A_412 : memref<1x200xi32, #tpu.memory_space<vmem>> -> memref<200xi32, #tpu.memory_space<vmem>>
      %dma_wait3A_414 = tpu.memref_slice %arg2[%add3A_409] : memref<819200xi32, #tpu.memory_space<hbm>> -> memref<200xi32, #tpu.memory_space<hbm>>
      %dma_wait3A_415 = arith.constant 0 : i32
      %dma_wait3A_416 = tpu.memref_slice %arg5[%dma_wait3A_410, %dma_wait3A_415] : memref<8x200xi32, #tpu.memory_space<vmem>> -> memref<1x200xi32, #tpu.memory_space<vmem>>
      %dma_wait3A_417 = tpu.memref_squeeze %dma_wait3A_416 : memref<1x200xi32, #tpu.memory_space<vmem>> -> memref<200xi32, #tpu.memory_space<vmem>>
      %dma_wait3A_418 = tpu.memref_slice %arg2[%add3A_409] : memref<819200xi32, #tpu.memory_space<hbm>> -> memref<200xi32, #tpu.memory_space<hbm>>
      tpu.wait_dma2 semaphore(%arg13 : memref<!tpu.dma_semaphore, #tpu.memory_space<semaphore_mem>>) src(%dma_wait3A_418 : memref<200xi32, #tpu.memory_space<hbm>>) dst(%dma_wait3A_417 : memref<200xi32, #tpu.memory_space<vmem>>)
      %dma_start3A_419 = arith.constant 6 : i32
      %dma_start3A_420 = arith.constant 6 : i32
      %dma_start3A_421 = arith.constant 0 : i32
      %dma_start3A_422 = arith.constant 0 : i32
      %dma_start3A_423 = tpu.memref_slice %arg6[%dma_start3A_420, %dma_start3A_421, %dma_start3A_422] : memref<8x200x64xf32, #tpu.memory_space<vmem>> -> memref<1x200x64xf32, #tpu.memory_space<vmem>>
      %dma_start3A_424 = tpu.memref_squeeze %dma_start3A_423 : memref<1x200x64xf32, #tpu.memory_space<vmem>> -> memref<200x64xf32, #tpu.memory_space<vmem>>
      %dma_start3A_425 = arith.constant 0 : i32
      %dma_start3A_426 = tpu.memref_slice %arg5[%dma_start3A_419, %dma_start3A_425] : memref<8x200xi32, #tpu.memory_space<vmem>> -> memref<1x200xi32, #tpu.memory_space<vmem>>
      %dma_start3A_427 = tpu.memref_squeeze %dma_start3A_426 : memref<1x200xi32, #tpu.memory_space<vmem>> -> memref<200xi32, #tpu.memory_space<vmem>>
      %dma_start3A_428 = arith.constant 0 : i32
      %dma_start3A_429 = arith.constant 0 : i32
      %dma_start3A_430 = tpu.memref_slice %arg3[%dma_start3A_428, %dma_start3A_429] : memref<1000000x64xf32, #tpu.memory_space<hbm>> -> memref<1000000x64xf32, #tpu.memory_space<hbm>>
      tpu.enqueue_indirect_dma source(%dma_start3A_430 : memref<1000000x64xf32, #tpu.memory_space<hbm>>) target(%dma_start3A_424 : memref<200x64xf32, #tpu.memory_space<vmem>>) offsets(%dma_start3A_427 : memref<200xi32, #tpu.memory_space<vmem>>) semaphore(%arg21 : memref<!tpu.dma_semaphore, #tpu.memory_space<semaphore_mem>>)
      %add3A_431 = arith.constant 7 : i32
      %add3A_432 = arith.addi %mul3A_216, %add3A_431 : i32
      %gt3A_433 = arith.constant 0 : i32
      %gt3A_434 = arith.cmpi sgt, %scan3A_214, %gt3A_433 : i32
      %convert_element_type3A_435 = arith.extui %gt3A_434 : i1 to i32
      %cond3A_436 = arith.constant 0 : i32
      %cond3A_437 = arith.cmpi ne, %convert_element_type3A_435, %cond3A_436 : i32
      scf.if %cond3A_437 {
        %sub3A = arith.constant 8 : i32
        %sub3A_757 = arith.subi %add3A_432, %sub3A : i32
        %mul3A_758 = arith.constant 200 : i32
        %mul3A_759 = arith.muli %sub3A_757, %mul3A_758 : i32
        %add3A_760 = arith.addi %mul3A_2, %mul3A_759 : i32
        %dma_wait3A_761 = arith.constant 7 : i32
        %dma_wait3A_762 = arith.constant 0 : i32
        %dma_wait3A_763 = arith.constant 0 : i32
        %dma_wait3A_764 = tpu.memref_slice %arg6[%dma_wait3A_761, %dma_wait3A_762, %dma_wait3A_763] : memref<8x200x64xf32, #tpu.memory_space<vmem>> -> memref<1x200x64xf32, #tpu.memory_space<vmem>>
        %dma_wait3A_765 = tpu.memref_squeeze %dma_wait3A_764 : memref<1x200x64xf32, #tpu.memory_space<vmem>> -> memref<200x64xf32, #tpu.memory_space<vmem>>
        %dma_wait3A_766 = arith.constant 0 : i32
        %dma_wait3A_767 = tpu.memref_slice %arg4[%add3A_760, %dma_wait3A_766] : memref<819200x64xf32, #tpu.memory_space<hbm>> -> memref<200x64xf32, #tpu.memory_space<hbm>>
        %dma_wait3A_768 = arith.constant 0 : i32
        %dma_wait3A_769 = tpu.memref_slice %arg4[%add3A_760, %dma_wait3A_768] : memref<819200x64xf32, #tpu.memory_space<hbm>> -> memref<200x64xf32, #tpu.memory_space<hbm>>
        %dma_wait3A_770 = arith.constant 0 : i32
        %dma_wait3A_771 = arith.constant 0 : i32
        %dma_wait3A_772 = tpu.memref_slice %arg6[%dma_wait3A_761, %dma_wait3A_770, %dma_wait3A_771] : memref<8x200x64xf32, #tpu.memory_space<vmem>> -> memref<1x200x64xf32, #tpu.memory_space<vmem>>
        %dma_wait3A_773 = tpu.memref_squeeze %dma_wait3A_772 : memref<1x200x64xf32, #tpu.memory_space<vmem>> -> memref<200x64xf32, #tpu.memory_space<vmem>>
        tpu.wait_dma2 semaphore(%arg30 : memref<!tpu.dma_semaphore, #tpu.memory_space<semaphore_mem>>) src(%dma_wait3A_773 : memref<200x64xf32, #tpu.memory_space<vmem>>) dst(%dma_wait3A_769 : memref<200x64xf32, #tpu.memory_space<hbm>>)
      } else {
      }
      %mul3A_438 = arith.constant 200 : i32
      %mul3A_439 = arith.muli %add3A_432, %mul3A_438 : i32
      %add3A_440 = arith.addi %mul3A_2, %mul3A_439 : i32
      %dma_wait3A_441 = arith.constant 7 : i32
      %dma_wait3A_442 = arith.constant 0 : i32
      %dma_wait3A_443 = tpu.memref_slice %arg5[%dma_wait3A_441, %dma_wait3A_442] : memref<8x200xi32, #tpu.memory_space<vmem>> -> memref<1x200xi32, #tpu.memory_space<vmem>>
      %dma_wait3A_444 = tpu.memref_squeeze %dma_wait3A_443 : memref<1x200xi32, #tpu.memory_space<vmem>> -> memref<200xi32, #tpu.memory_space<vmem>>
      %dma_wait3A_445 = tpu.memref_slice %arg2[%add3A_440] : memref<819200xi32, #tpu.memory_space<hbm>> -> memref<200xi32, #tpu.memory_space<hbm>>
      %dma_wait3A_446 = arith.constant 0 : i32
      %dma_wait3A_447 = tpu.memref_slice %arg5[%dma_wait3A_441, %dma_wait3A_446] : memref<8x200xi32, #tpu.memory_space<vmem>> -> memref<1x200xi32, #tpu.memory_space<vmem>>
      %dma_wait3A_448 = tpu.memref_squeeze %dma_wait3A_447 : memref<1x200xi32, #tpu.memory_space<vmem>> -> memref<200xi32, #tpu.memory_space<vmem>>
      %dma_wait3A_449 = tpu.memref_slice %arg2[%add3A_440] : memref<819200xi32, #tpu.memory_space<hbm>> -> memref<200xi32, #tpu.memory_space<hbm>>
      tpu.wait_dma2 semaphore(%arg14 : memref<!tpu.dma_semaphore, #tpu.memory_space<semaphore_mem>>) src(%dma_wait3A_449 : memref<200xi32, #tpu.memory_space<hbm>>) dst(%dma_wait3A_448 : memref<200xi32, #tpu.memory_space<vmem>>)
      %dma_start3A_450 = arith.constant 7 : i32
      %dma_start3A_451 = arith.constant 7 : i32
      %dma_start3A_452 = arith.constant 0 : i32
      %dma_start3A_453 = arith.constant 0 : i32
      %dma_start3A_454 = tpu.memref_slice %arg6[%dma_start3A_451, %dma_start3A_452, %dma_start3A_453] : memref<8x200x64xf32, #tpu.memory_space<vmem>> -> memref<1x200x64xf32, #tpu.memory_space<vmem>>
      %dma_start3A_455 = tpu.memref_squeeze %dma_start3A_454 : memref<1x200x64xf32, #tpu.memory_space<vmem>> -> memref<200x64xf32, #tpu.memory_space<vmem>>
      %dma_start3A_456 = arith.constant 0 : i32
      %dma_start3A_457 = tpu.memref_slice %arg5[%dma_start3A_450, %dma_start3A_456] : memref<8x200xi32, #tpu.memory_space<vmem>> -> memref<1x200xi32, #tpu.memory_space<vmem>>
      %dma_start3A_458 = tpu.memref_squeeze %dma_start3A_457 : memref<1x200xi32, #tpu.memory_space<vmem>> -> memref<200xi32, #tpu.memory_space<vmem>>
      %dma_start3A_459 = arith.constant 0 : i32
      %dma_start3A_460 = arith.constant 0 : i32
      %dma_start3A_461 = tpu.memref_slice %arg3[%dma_start3A_459, %dma_start3A_460] : memref<1000000x64xf32, #tpu.memory_space<hbm>> -> memref<1000000x64xf32, #tpu.memory_space<hbm>>
      tpu.enqueue_indirect_dma source(%dma_start3A_461 : memref<1000000x64xf32, #tpu.memory_space<hbm>>) target(%dma_start3A_455 : memref<200x64xf32, #tpu.memory_space<vmem>>) offsets(%dma_start3A_458 : memref<200xi32, #tpu.memory_space<vmem>>) semaphore(%arg22 : memref<!tpu.dma_semaphore, #tpu.memory_space<semaphore_mem>>)
      %add3A_462 = arith.constant 0 : i32
      %add3A_463 = arith.addi %mul3A_216, %add3A_462 : i32
      %dma_wait3A_464 = arith.constant 0 : i32
      %dma_wait3A_465 = arith.constant 0 : i32
      %dma_wait3A_466 = arith.constant 0 : i32
      %dma_wait3A_467 = arith.constant 0 : i32
      %dma_wait3A_468 = tpu.memref_slice %arg6[%dma_wait3A_465, %dma_wait3A_466, %dma_wait3A_467] : memref<8x200x64xf32, #tpu.memory_space<vmem>> -> memref<1x200x64xf32, #tpu.memory_space<vmem>>
      %dma_wait3A_469 = tpu.memref_squeeze %dma_wait3A_468 : memref<1x200x64xf32, #tpu.memory_space<vmem>> -> memref<200x64xf32, #tpu.memory_space<vmem>>
      %dma_wait3A_470 = arith.constant 0 : i32
      %dma_wait3A_471 = tpu.memref_slice %arg5[%dma_wait3A_464, %dma_wait3A_470] : memref<8x200xi32, #tpu.memory_space<vmem>> -> memref<1x200xi32, #tpu.memory_space<vmem>>
      %dma_wait3A_472 = tpu.memref_squeeze %dma_wait3A_471 : memref<1x200xi32, #tpu.memory_space<vmem>> -> memref<200xi32, #tpu.memory_space<vmem>>
      %dma_wait3A_473 = arith.constant 0 : i32
      %dma_wait3A_474 = arith.constant 0 : i32
      %dma_wait3A_475 = tpu.memref_slice %arg3[%dma_wait3A_473, %dma_wait3A_474] : memref<1000000x64xf32, #tpu.memory_space<hbm>> -> memref<1000000x64xf32, #tpu.memory_space<hbm>>
      tpu.wait_indirect_dma semaphore(%arg15 : memref<!tpu.dma_semaphore, #tpu.memory_space<semaphore_mem>>) src(%dma_wait3A_475 : memref<1000000x64xf32, #tpu.memory_space<hbm>>) dst(%dma_wait3A_469 : memref<200x64xf32, #tpu.memory_space<vmem>>)
      %mul3A_476 = arith.constant 200 : i32
      %mul3A_477 = arith.muli %add3A_463, %mul3A_476 : i32
      %add3A_478 = arith.addi %mul3A_2, %mul3A_477 : i32
      %dma_start3A_479 = arith.constant 0 : i32
      %dma_start3A_480 = arith.constant 0 : i32
      %dma_start3A_481 = arith.constant 0 : i32
      %dma_start3A_482 = tpu.memref_slice %arg6[%dma_start3A_479, %dma_start3A_480, %dma_start3A_481] : memref<8x200x64xf32, #tpu.memory_space<vmem>> -> memref<1x200x64xf32, #tpu.memory_space<vmem>>
      %dma_start3A_483 = tpu.memref_squeeze %dma_start3A_482 : memref<1x200x64xf32, #tpu.memory_space<vmem>> -> memref<200x64xf32, #tpu.memory_space<vmem>>
      %dma_start3A_484 = arith.constant 0 : i32
      %dma_start3A_485 = tpu.memref_slice %arg4[%add3A_478, %dma_start3A_484] : memref<819200x64xf32, #tpu.memory_space<hbm>> -> memref<200x64xf32, #tpu.memory_space<hbm>>
      %dma_start3A_486 = arith.constant 0 : i32
      %dma_start3A_487 = tpu.memref_slice %arg4[%add3A_478, %dma_start3A_486] : memref<819200x64xf32, #tpu.memory_space<hbm>> -> memref<200x64xf32, #tpu.memory_space<hbm>>
      %dma_start3A_488 = arith.constant 0 : i32
      %dma_start3A_489 = arith.constant 0 : i32
      %dma_start3A_490 = tpu.memref_slice %arg6[%dma_start3A_479, %dma_start3A_488, %dma_start3A_489] : memref<8x200x64xf32, #tpu.memory_space<vmem>> -> memref<1x200x64xf32, #tpu.memory_space<vmem>>
      %dma_start3A_491 = tpu.memref_squeeze %dma_start3A_490 : memref<1x200x64xf32, #tpu.memory_space<vmem>> -> memref<200x64xf32, #tpu.memory_space<vmem>>
      tpu.enqueue_dma source(%dma_start3A_491 : memref<200x64xf32, #tpu.memory_space<vmem>>) target(%dma_start3A_487 : memref<200x64xf32, #tpu.memory_space<hbm>>) target_semaphore(%arg23 : memref<!tpu.dma_semaphore, #tpu.memory_space<semaphore_mem>>)
      %add3A_492 = arith.constant 8 : i32
      %add3A_493 = arith.addi %add3A_463, %add3A_492 : i32
      %lt3A = arith.constant 128 : i32
      %lt3A_494 = arith.cmpi slt, %add3A_493, %lt3A : i32
      %convert_element_type3A_495 = arith.extui %lt3A_494 : i1 to i32
      %cond3A_496 = arith.constant 0 : i32
      %cond3A_497 = arith.cmpi ne, %convert_element_type3A_495, %cond3A_496 : i32
      scf.if %cond3A_497 {
        %add3A_757 = arith.constant 8 : i32
        %add3A_758 = arith.addi %add3A_463, %add3A_757 : i32
        %mul3A_759 = arith.constant 200 : i32
        %mul3A_760 = arith.muli %add3A_758, %mul3A_759 : i32
        %add3A_761 = arith.addi %mul3A_2, %mul3A_760 : i32
        %dma_start3A_762 = arith.constant 0 : i32
        %dma_start3A_763 = arith.constant 0 : i32
        %dma_start3A_764 = tpu.memref_slice %arg5[%dma_start3A_762, %dma_start3A_763] : memref<8x200xi32, #tpu.memory_space<vmem>> -> memref<1x200xi32, #tpu.memory_space<vmem>>
        %dma_start3A_765 = tpu.memref_squeeze %dma_start3A_764 : memref<1x200xi32, #tpu.memory_space<vmem>> -> memref<200xi32, #tpu.memory_space<vmem>>
        %dma_start3A_766 = tpu.memref_slice %arg2[%add3A_761] : memref<819200xi32, #tpu.memory_space<hbm>> -> memref<200xi32, #tpu.memory_space<hbm>>
        %dma_start3A_767 = arith.constant 0 : i32
        %dma_start3A_768 = tpu.memref_slice %arg5[%dma_start3A_762, %dma_start3A_767] : memref<8x200xi32, #tpu.memory_space<vmem>> -> memref<1x200xi32, #tpu.memory_space<vmem>>
        %dma_start3A_769 = tpu.memref_squeeze %dma_start3A_768 : memref<1x200xi32, #tpu.memory_space<vmem>> -> memref<200xi32, #tpu.memory_space<vmem>>
        %dma_start3A_770 = tpu.memref_slice %arg2[%add3A_761] : memref<819200xi32, #tpu.memory_space<hbm>> -> memref<200xi32, #tpu.memory_space<hbm>>
        tpu.enqueue_dma source(%dma_start3A_770 : memref<200xi32, #tpu.memory_space<hbm>>) target(%dma_start3A_769 : memref<200xi32, #tpu.memory_space<vmem>>) target_semaphore(%arg7 : memref<!tpu.dma_semaphore, #tpu.memory_space<semaphore_mem>>)
      } else {
      }
      %add3A_498 = arith.constant 1 : i32
      %add3A_499 = arith.addi %mul3A_216, %add3A_498 : i32
      %dma_wait3A_500 = arith.constant 1 : i32
      %dma_wait3A_501 = arith.constant 1 : i32
      %dma_wait3A_502 = arith.constant 0 : i32
      %dma_wait3A_503 = arith.constant 0 : i32
      %dma_wait3A_504 = tpu.memref_slice %arg6[%dma_wait3A_501, %dma_wait3A_502, %dma_wait3A_503] : memref<8x200x64xf32, #tpu.memory_space<vmem>> -> memref<1x200x64xf32, #tpu.memory_space<vmem>>
      %dma_wait3A_505 = tpu.memref_squeeze %dma_wait3A_504 : memref<1x200x64xf32, #tpu.memory_space<vmem>> -> memref<200x64xf32, #tpu.memory_space<vmem>>
      %dma_wait3A_506 = arith.constant 0 : i32
      %dma_wait3A_507 = tpu.memref_slice %arg5[%dma_wait3A_500, %dma_wait3A_506] : memref<8x200xi32, #tpu.memory_space<vmem>> -> memref<1x200xi32, #tpu.memory_space<vmem>>
      %dma_wait3A_508 = tpu.memref_squeeze %dma_wait3A_507 : memref<1x200xi32, #tpu.memory_space<vmem>> -> memref<200xi32, #tpu.memory_space<vmem>>
      %dma_wait3A_509 = arith.constant 0 : i32
      %dma_wait3A_510 = arith.constant 0 : i32
      %dma_wait3A_511 = tpu.memref_slice %arg3[%dma_wait3A_509, %dma_wait3A_510] : memref<1000000x64xf32, #tpu.memory_space<hbm>> -> memref<1000000x64xf32, #tpu.memory_space<hbm>>
      tpu.wait_indirect_dma semaphore(%arg16 : memref<!tpu.dma_semaphore, #tpu.memory_space<semaphore_mem>>) src(%dma_wait3A_511 : memref<1000000x64xf32, #tpu.memory_space<hbm>>) dst(%dma_wait3A_505 : memref<200x64xf32, #tpu.memory_space<vmem>>)
      %mul3A_512 = arith.constant 200 : i32
      %mul3A_513 = arith.muli %add3A_499, %mul3A_512 : i32
      %add3A_514 = arith.addi %mul3A_2, %mul3A_513 : i32
      %dma_start3A_515 = arith.constant 1 : i32
      %dma_start3A_516 = arith.constant 0 : i32
      %dma_start3A_517 = arith.constant 0 : i32
      %dma_start3A_518 = tpu.memref_slice %arg6[%dma_start3A_515, %dma_start3A_516, %dma_start3A_517] : memref<8x200x64xf32, #tpu.memory_space<vmem>> -> memref<1x200x64xf32, #tpu.memory_space<vmem>>
      %dma_start3A_519 = tpu.memref_squeeze %dma_start3A_518 : memref<1x200x64xf32, #tpu.memory_space<vmem>> -> memref<200x64xf32, #tpu.memory_space<vmem>>
      %dma_start3A_520 = arith.constant 0 : i32
      %dma_start3A_521 = tpu.memref_slice %arg4[%add3A_514, %dma_start3A_520] : memref<819200x64xf32, #tpu.memory_space<hbm>> -> memref<200x64xf32, #tpu.memory_space<hbm>>
      %dma_start3A_522 = arith.constant 0 : i32
      %dma_start3A_523 = tpu.memref_slice %arg4[%add3A_514, %dma_start3A_522] : memref<819200x64xf32, #tpu.memory_space<hbm>> -> memref<200x64xf32, #tpu.memory_space<hbm>>
      %dma_start3A_524 = arith.constant 0 : i32
      %dma_start3A_525 = arith.constant 0 : i32
      %dma_start3A_526 = tpu.memref_slice %arg6[%dma_start3A_515, %dma_start3A_524, %dma_start3A_525] : memref<8x200x64xf32, #tpu.memory_space<vmem>> -> memref<1x200x64xf32, #tpu.memory_space<vmem>>
      %dma_start3A_527 = tpu.memref_squeeze %dma_start3A_526 : memref<1x200x64xf32, #tpu.memory_space<vmem>> -> memref<200x64xf32, #tpu.memory_space<vmem>>
      tpu.enqueue_dma source(%dma_start3A_527 : memref<200x64xf32, #tpu.memory_space<vmem>>) target(%dma_start3A_523 : memref<200x64xf32, #tpu.memory_space<hbm>>) target_semaphore(%arg24 : memref<!tpu.dma_semaphore, #tpu.memory_space<semaphore_mem>>)
      %add3A_528 = arith.constant 8 : i32
      %add3A_529 = arith.addi %add3A_499, %add3A_528 : i32
      %lt3A_530 = arith.constant 128 : i32
      %lt3A_531 = arith.cmpi slt, %add3A_529, %lt3A_530 : i32
      %convert_element_type3A_532 = arith.extui %lt3A_531 : i1 to i32
      %cond3A_533 = arith.constant 0 : i32
      %cond3A_534 = arith.cmpi ne, %convert_element_type3A_532, %cond3A_533 : i32
      scf.if %cond3A_534 {
        %add3A_757 = arith.constant 8 : i32
        %add3A_758 = arith.addi %add3A_499, %add3A_757 : i32
        %mul3A_759 = arith.constant 200 : i32
        %mul3A_760 = arith.muli %add3A_758, %mul3A_759 : i32
        %add3A_761 = arith.addi %mul3A_2, %mul3A_760 : i32
        %dma_start3A_762 = arith.constant 1 : i32
        %dma_start3A_763 = arith.constant 0 : i32
        %dma_start3A_764 = tpu.memref_slice %arg5[%dma_start3A_762, %dma_start3A_763] : memref<8x200xi32, #tpu.memory_space<vmem>> -> memref<1x200xi32, #tpu.memory_space<vmem>>
        %dma_start3A_765 = tpu.memref_squeeze %dma_start3A_764 : memref<1x200xi32, #tpu.memory_space<vmem>> -> memref<200xi32, #tpu.memory_space<vmem>>
        %dma_start3A_766 = tpu.memref_slice %arg2[%add3A_761] : memref<819200xi32, #tpu.memory_space<hbm>> -> memref<200xi32, #tpu.memory_space<hbm>>
        %dma_start3A_767 = arith.constant 0 : i32
        %dma_start3A_768 = tpu.memref_slice %arg5[%dma_start3A_762, %dma_start3A_767] : memref<8x200xi32, #tpu.memory_space<vmem>> -> memref<1x200xi32, #tpu.memory_space<vmem>>
        %dma_start3A_769 = tpu.memref_squeeze %dma_start3A_768 : memref<1x200xi32, #tpu.memory_space<vmem>> -> memref<200xi32, #tpu.memory_space<vmem>>
        %dma_start3A_770 = tpu.memref_slice %arg2[%add3A_761] : memref<819200xi32, #tpu.memory_space<hbm>> -> memref<200xi32, #tpu.memory_space<hbm>>
        tpu.enqueue_dma source(%dma_start3A_770 : memref<200xi32, #tpu.memory_space<hbm>>) target(%dma_start3A_769 : memref<200xi32, #tpu.memory_space<vmem>>) target_semaphore(%arg8 : memref<!tpu.dma_semaphore, #tpu.memory_space<semaphore_mem>>)
      } else {
      }
      %add3A_535 = arith.constant 2 : i32
      %add3A_536 = arith.addi %mul3A_216, %add3A_535 : i32
      %dma_wait3A_537 = arith.constant 2 : i32
      %dma_wait3A_538 = arith.constant 2 : i32
      %dma_wait3A_539 = arith.constant 0 : i32
      %dma_wait3A_540 = arith.constant 0 : i32
      %dma_wait3A_541 = tpu.memref_slice %arg6[%dma_wait3A_538, %dma_wait3A_539, %dma_wait3A_540] : memref<8x200x64xf32, #tpu.memory_space<vmem>> -> memref<1x200x64xf32, #tpu.memory_space<vmem>>
      %dma_wait3A_542 = tpu.memref_squeeze %dma_wait3A_541 : memref<1x200x64xf32, #tpu.memory_space<vmem>> -> memref<200x64xf32, #tpu.memory_space<vmem>>
      %dma_wait3A_543 = arith.constant 0 : i32
      %dma_wait3A_544 = tpu.memref_slice %arg5[%dma_wait3A_537, %dma_wait3A_543] : memref<8x200xi32, #tpu.memory_space<vmem>> -> memref<1x200xi32, #tpu.memory_space<vmem>>
      %dma_wait3A_545 = tpu.memref_squeeze %dma_wait3A_544 : memref<1x200xi32, #tpu.memory_space<vmem>> -> memref<200xi32, #tpu.memory_space<vmem>>
      %dma_wait3A_546 = arith.constant 0 : i32
      %dma_wait3A_547 = arith.constant 0 : i32
      %dma_wait3A_548 = tpu.memref_slice %arg3[%dma_wait3A_546, %dma_wait3A_547] : memref<1000000x64xf32, #tpu.memory_space<hbm>> -> memref<1000000x64xf32, #tpu.memory_space<hbm>>
      tpu.wait_indirect_dma semaphore(%arg17 : memref<!tpu.dma_semaphore, #tpu.memory_space<semaphore_mem>>) src(%dma_wait3A_548 : memref<1000000x64xf32, #tpu.memory_space<hbm>>) dst(%dma_wait3A_542 : memref<200x64xf32, #tpu.memory_space<vmem>>)
      %mul3A_549 = arith.constant 200 : i32
      %mul3A_550 = arith.muli %add3A_536, %mul3A_549 : i32
      %add3A_551 = arith.addi %mul3A_2, %mul3A_550 : i32
      %dma_start3A_552 = arith.constant 2 : i32
      %dma_start3A_553 = arith.constant 0 : i32
      %dma_start3A_554 = arith.constant 0 : i32
      %dma_start3A_555 = tpu.memref_slice %arg6[%dma_start3A_552, %dma_start3A_553, %dma_start3A_554] : memref<8x200x64xf32, #tpu.memory_space<vmem>> -> memref<1x200x64xf32, #tpu.memory_space<vmem>>
      %dma_start3A_556 = tpu.memref_squeeze %dma_start3A_555 : memref<1x200x64xf32, #tpu.memory_space<vmem>> -> memref<200x64xf32, #tpu.memory_space<vmem>>
      %dma_start3A_557 = arith.constant 0 : i32
      %dma_start3A_558 = tpu.memref_slice %arg4[%add3A_551, %dma_start3A_557] : memref<819200x64xf32, #tpu.memory_space<hbm>> -> memref<200x64xf32, #tpu.memory_space<hbm>>
      %dma_start3A_559 = arith.constant 0 : i32
      %dma_start3A_560 = tpu.memref_slice %arg4[%add3A_551, %dma_start3A_559] : memref<819200x64xf32, #tpu.memory_space<hbm>> -> memref<200x64xf32, #tpu.memory_space<hbm>>
      %dma_start3A_561 = arith.constant 0 : i32
      %dma_start3A_562 = arith.constant 0 : i32
      %dma_start3A_563 = tpu.memref_slice %arg6[%dma_start3A_552, %dma_start3A_561, %dma_start3A_562] : memref<8x200x64xf32, #tpu.memory_space<vmem>> -> memref<1x200x64xf32, #tpu.memory_space<vmem>>
      %dma_start3A_564 = tpu.memref_squeeze %dma_start3A_563 : memref<1x200x64xf32, #tpu.memory_space<vmem>> -> memref<200x64xf32, #tpu.memory_space<vmem>>
      tpu.enqueue_dma source(%dma_start3A_564 : memref<200x64xf32, #tpu.memory_space<vmem>>) target(%dma_start3A_560 : memref<200x64xf32, #tpu.memory_space<hbm>>) target_semaphore(%arg25 : memref<!tpu.dma_semaphore, #tpu.memory_space<semaphore_mem>>)
      %add3A_565 = arith.constant 8 : i32
      %add3A_566 = arith.addi %add3A_536, %add3A_565 : i32
      %lt3A_567 = arith.constant 128 : i32
      %lt3A_568 = arith.cmpi slt, %add3A_566, %lt3A_567 : i32
      %convert_element_type3A_569 = arith.extui %lt3A_568 : i1 to i32
      %cond3A_570 = arith.constant 0 : i32
      %cond3A_571 = arith.cmpi ne, %convert_element_type3A_569, %cond3A_570 : i32
      scf.if %cond3A_571 {
        %add3A_757 = arith.constant 8 : i32
        %add3A_758 = arith.addi %add3A_536, %add3A_757 : i32
        %mul3A_759 = arith.constant 200 : i32
        %mul3A_760 = arith.muli %add3A_758, %mul3A_759 : i32
        %add3A_761 = arith.addi %mul3A_2, %mul3A_760 : i32
        %dma_start3A_762 = arith.constant 2 : i32
        %dma_start3A_763 = arith.constant 0 : i32
        %dma_start3A_764 = tpu.memref_slice %arg5[%dma_start3A_762, %dma_start3A_763] : memref<8x200xi32, #tpu.memory_space<vmem>> -> memref<1x200xi32, #tpu.memory_space<vmem>>
        %dma_start3A_765 = tpu.memref_squeeze %dma_start3A_764 : memref<1x200xi32, #tpu.memory_space<vmem>> -> memref<200xi32, #tpu.memory_space<vmem>>
        %dma_start3A_766 = tpu.memref_slice %arg2[%add3A_761] : memref<819200xi32, #tpu.memory_space<hbm>> -> memref<200xi32, #tpu.memory_space<hbm>>
        %dma_start3A_767 = arith.constant 0 : i32
        %dma_start3A_768 = tpu.memref_slice %arg5[%dma_start3A_762, %dma_start3A_767] : memref<8x200xi32, #tpu.memory_space<vmem>> -> memref<1x200xi32, #tpu.memory_space<vmem>>
        %dma_start3A_769 = tpu.memref_squeeze %dma_start3A_768 : memref<1x200xi32, #tpu.memory_space<vmem>> -> memref<200xi32, #tpu.memory_space<vmem>>
        %dma_start3A_770 = tpu.memref_slice %arg2[%add3A_761] : memref<819200xi32, #tpu.memory_space<hbm>> -> memref<200xi32, #tpu.memory_space<hbm>>
        tpu.enqueue_dma source(%dma_start3A_770 : memref<200xi32, #tpu.memory_space<hbm>>) target(%dma_start3A_769 : memref<200xi32, #tpu.memory_space<vmem>>) target_semaphore(%arg9 : memref<!tpu.dma_semaphore, #tpu.memory_space<semaphore_mem>>)
      } else {
      }
      %add3A_572 = arith.constant 3 : i32
      %add3A_573 = arith.addi %mul3A_216, %add3A_572 : i32
      %dma_wait3A_574 = arith.constant 3 : i32
      %dma_wait3A_575 = arith.constant 3 : i32
      %dma_wait3A_576 = arith.constant 0 : i32
      %dma_wait3A_577 = arith.constant 0 : i32
      %dma_wait3A_578 = tpu.memref_slice %arg6[%dma_wait3A_575, %dma_wait3A_576, %dma_wait3A_577] : memref<8x200x64xf32, #tpu.memory_space<vmem>> -> memref<1x200x64xf32, #tpu.memory_space<vmem>>
      %dma_wait3A_579 = tpu.memref_squeeze %dma_wait3A_578 : memref<1x200x64xf32, #tpu.memory_space<vmem>> -> memref<200x64xf32, #tpu.memory_space<vmem>>
      %dma_wait3A_580 = arith.constant 0 : i32
      %dma_wait3A_581 = tpu.memref_slice %arg5[%dma_wait3A_574, %dma_wait3A_580] : memref<8x200xi32, #tpu.memory_space<vmem>> -> memref<1x200xi32, #tpu.memory_space<vmem>>
      %dma_wait3A_582 = tpu.memref_squeeze %dma_wait3A_581 : memref<1x200xi32, #tpu.memory_space<vmem>> -> memref<200xi32, #tpu.memory_space<vmem>>
      %dma_wait3A_583 = arith.constant 0 : i32
      %dma_wait3A_584 = arith.constant 0 : i32
      %dma_wait3A_585 = tpu.memref_slice %arg3[%dma_wait3A_583, %dma_wait3A_584] : memref<1000000x64xf32, #tpu.memory_space<hbm>> -> memref<1000000x64xf32, #tpu.memory_space<hbm>>
      tpu.wait_indirect_dma semaphore(%arg18 : memref<!tpu.dma_semaphore, #tpu.memory_space<semaphore_mem>>) src(%dma_wait3A_585 : memref<1000000x64xf32, #tpu.memory_space<hbm>>) dst(%dma_wait3A_579 : memref<200x64xf32, #tpu.memory_space<vmem>>)
      %mul3A_586 = arith.constant 200 : i32
      %mul3A_587 = arith.muli %add3A_573, %mul3A_586 : i32
      %add3A_588 = arith.addi %mul3A_2, %mul3A_587 : i32
      %dma_start3A_589 = arith.constant 3 : i32
      %dma_start3A_590 = arith.constant 0 : i32
      %dma_start3A_591 = arith.constant 0 : i32
      %dma_start3A_592 = tpu.memref_slice %arg6[%dma_start3A_589, %dma_start3A_590, %dma_start3A_591] : memref<8x200x64xf32, #tpu.memory_space<vmem>> -> memref<1x200x64xf32, #tpu.memory_space<vmem>>
      %dma_start3A_593 = tpu.memref_squeeze %dma_start3A_592 : memref<1x200x64xf32, #tpu.memory_space<vmem>> -> memref<200x64xf32, #tpu.memory_space<vmem>>
      %dma_start3A_594 = arith.constant 0 : i32
      %dma_start3A_595 = tpu.memref_slice %arg4[%add3A_588, %dma_start3A_594] : memref<819200x64xf32, #tpu.memory_space<hbm>> -> memref<200x64xf32, #tpu.memory_space<hbm>>
      %dma_start3A_596 = arith.constant 0 : i32
      %dma_start3A_597 = tpu.memref_slice %arg4[%add3A_588, %dma_start3A_596] : memref<819200x64xf32, #tpu.memory_space<hbm>> -> memref<200x64xf32, #tpu.memory_space<hbm>>
      %dma_start3A_598 = arith.constant 0 : i32
      %dma_start3A_599 = arith.constant 0 : i32
      %dma_start3A_600 = tpu.memref_slice %arg6[%dma_start3A_589, %dma_start3A_598, %dma_start3A_599] : memref<8x200x64xf32, #tpu.memory_space<vmem>> -> memref<1x200x64xf32, #tpu.memory_space<vmem>>
      %dma_start3A_601 = tpu.memref_squeeze %dma_start3A_600 : memref<1x200x64xf32, #tpu.memory_space<vmem>> -> memref<200x64xf32, #tpu.memory_space<vmem>>
      tpu.enqueue_dma source(%dma_start3A_601 : memref<200x64xf32, #tpu.memory_space<vmem>>) target(%dma_start3A_597 : memref<200x64xf32, #tpu.memory_space<hbm>>) target_semaphore(%arg26 : memref<!tpu.dma_semaphore, #tpu.memory_space<semaphore_mem>>)
      %add3A_602 = arith.constant 8 : i32
      %add3A_603 = arith.addi %add3A_573, %add3A_602 : i32
      %lt3A_604 = arith.constant 128 : i32
      %lt3A_605 = arith.cmpi slt, %add3A_603, %lt3A_604 : i32
      %convert_element_type3A_606 = arith.extui %lt3A_605 : i1 to i32
      %cond3A_607 = arith.constant 0 : i32
      %cond3A_608 = arith.cmpi ne, %convert_element_type3A_606, %cond3A_607 : i32
      scf.if %cond3A_608 {
        %add3A_757 = arith.constant 8 : i32
        %add3A_758 = arith.addi %add3A_573, %add3A_757 : i32
        %mul3A_759 = arith.constant 200 : i32
        %mul3A_760 = arith.muli %add3A_758, %mul3A_759 : i32
        %add3A_761 = arith.addi %mul3A_2, %mul3A_760 : i32
        %dma_start3A_762 = arith.constant 3 : i32
        %dma_start3A_763 = arith.constant 0 : i32
        %dma_start3A_764 = tpu.memref_slice %arg5[%dma_start3A_762, %dma_start3A_763] : memref<8x200xi32, #tpu.memory_space<vmem>> -> memref<1x200xi32, #tpu.memory_space<vmem>>
        %dma_start3A_765 = tpu.memref_squeeze %dma_start3A_764 : memref<1x200xi32, #tpu.memory_space<vmem>> -> memref<200xi32, #tpu.memory_space<vmem>>
        %dma_start3A_766 = tpu.memref_slice %arg2[%add3A_761] : memref<819200xi32, #tpu.memory_space<hbm>> -> memref<200xi32, #tpu.memory_space<hbm>>
        %dma_start3A_767 = arith.constant 0 : i32
        %dma_start3A_768 = tpu.memref_slice %arg5[%dma_start3A_762, %dma_start3A_767] : memref<8x200xi32, #tpu.memory_space<vmem>> -> memref<1x200xi32, #tpu.memory_space<vmem>>
        %dma_start3A_769 = tpu.memref_squeeze %dma_start3A_768 : memref<1x200xi32, #tpu.memory_space<vmem>> -> memref<200xi32, #tpu.memory_space<vmem>>
        %dma_start3A_770 = tpu.memref_slice %arg2[%add3A_761] : memref<819200xi32, #tpu.memory_space<hbm>> -> memref<200xi32, #tpu.memory_space<hbm>>
        tpu.enqueue_dma source(%dma_start3A_770 : memref<200xi32, #tpu.memory_space<hbm>>) target(%dma_start3A_769 : memref<200xi32, #tpu.memory_space<vmem>>) target_semaphore(%arg10 : memref<!tpu.dma_semaphore, #tpu.memory_space<semaphore_mem>>)
      } else {
      }
      %add3A_609 = arith.constant 4 : i32
      %add3A_610 = arith.addi %mul3A_216, %add3A_609 : i32
      %dma_wait3A_611 = arith.constant 4 : i32
      %dma_wait3A_612 = arith.constant 4 : i32
      %dma_wait3A_613 = arith.constant 0 : i32
      %dma_wait3A_614 = arith.constant 0 : i32
      %dma_wait3A_615 = tpu.memref_slice %arg6[%dma_wait3A_612, %dma_wait3A_613, %dma_wait3A_614] : memref<8x200x64xf32, #tpu.memory_space<vmem>> -> memref<1x200x64xf32, #tpu.memory_space<vmem>>
      %dma_wait3A_616 = tpu.memref_squeeze %dma_wait3A_615 : memref<1x200x64xf32, #tpu.memory_space<vmem>> -> memref<200x64xf32, #tpu.memory_space<vmem>>
      %dma_wait3A_617 = arith.constant 0 : i32
      %dma_wait3A_618 = tpu.memref_slice %arg5[%dma_wait3A_611, %dma_wait3A_617] : memref<8x200xi32, #tpu.memory_space<vmem>> -> memref<1x200xi32, #tpu.memory_space<vmem>>
      %dma_wait3A_619 = tpu.memref_squeeze %dma_wait3A_618 : memref<1x200xi32, #tpu.memory_space<vmem>> -> memref<200xi32, #tpu.memory_space<vmem>>
      %dma_wait3A_620 = arith.constant 0 : i32
      %dma_wait3A_621 = arith.constant 0 : i32
      %dma_wait3A_622 = tpu.memref_slice %arg3[%dma_wait3A_620, %dma_wait3A_621] : memref<1000000x64xf32, #tpu.memory_space<hbm>> -> memref<1000000x64xf32, #tpu.memory_space<hbm>>
      tpu.wait_indirect_dma semaphore(%arg19 : memref<!tpu.dma_semaphore, #tpu.memory_space<semaphore_mem>>) src(%dma_wait3A_622 : memref<1000000x64xf32, #tpu.memory_space<hbm>>) dst(%dma_wait3A_616 : memref<200x64xf32, #tpu.memory_space<vmem>>)
      %mul3A_623 = arith.constant 200 : i32
      %mul3A_624 = arith.muli %add3A_610, %mul3A_623 : i32
      %add3A_625 = arith.addi %mul3A_2, %mul3A_624 : i32
      %dma_start3A_626 = arith.constant 4 : i32
      %dma_start3A_627 = arith.constant 0 : i32
      %dma_start3A_628 = arith.constant 0 : i32
      %dma_start3A_629 = tpu.memref_slice %arg6[%dma_start3A_626, %dma_start3A_627, %dma_start3A_628] : memref<8x200x64xf32, #tpu.memory_space<vmem>> -> memref<1x200x64xf32, #tpu.memory_space<vmem>>
      %dma_start3A_630 = tpu.memref_squeeze %dma_start3A_629 : memref<1x200x64xf32, #tpu.memory_space<vmem>> -> memref<200x64xf32, #tpu.memory_space<vmem>>
      %dma_start3A_631 = arith.constant 0 : i32
      %dma_start3A_632 = tpu.memref_slice %arg4[%add3A_625, %dma_start3A_631] : memref<819200x64xf32, #tpu.memory_space<hbm>> -> memref<200x64xf32, #tpu.memory_space<hbm>>
      %dma_start3A_633 = arith.constant 0 : i32
      %dma_start3A_634 = tpu.memref_slice %arg4[%add3A_625, %dma_start3A_633] : memref<819200x64xf32, #tpu.memory_space<hbm>> -> memref<200x64xf32, #tpu.memory_space<hbm>>
      %dma_start3A_635 = arith.constant 0 : i32
      %dma_start3A_636 = arith.constant 0 : i32
      %dma_start3A_637 = tpu.memref_slice %arg6[%dma_start3A_626, %dma_start3A_635, %dma_start3A_636] : memref<8x200x64xf32, #tpu.memory_space<vmem>> -> memref<1x200x64xf32, #tpu.memory_space<vmem>>
      %dma_start3A_638 = tpu.memref_squeeze %dma_start3A_637 : memref<1x200x64xf32, #tpu.memory_space<vmem>> -> memref<200x64xf32, #tpu.memory_space<vmem>>
      tpu.enqueue_dma source(%dma_start3A_638 : memref<200x64xf32, #tpu.memory_space<vmem>>) target(%dma_start3A_634 : memref<200x64xf32, #tpu.memory_space<hbm>>) target_semaphore(%arg27 : memref<!tpu.dma_semaphore, #tpu.memory_space<semaphore_mem>>)
      %add3A_639 = arith.constant 8 : i32
      %add3A_640 = arith.addi %add3A_610, %add3A_639 : i32
      %lt3A_641 = arith.constant 128 : i32
      %lt3A_642 = arith.cmpi slt, %add3A_640, %lt3A_641 : i32
      %convert_element_type3A_643 = arith.extui %lt3A_642 : i1 to i32
      %cond3A_644 = arith.constant 0 : i32
      %cond3A_645 = arith.cmpi ne, %convert_element_type3A_643, %cond3A_644 : i32
      scf.if %cond3A_645 {
        %add3A_757 = arith.constant 8 : i32
        %add3A_758 = arith.addi %add3A_610, %add3A_757 : i32
        %mul3A_759 = arith.constant 200 : i32
        %mul3A_760 = arith.muli %add3A_758, %mul3A_759 : i32
        %add3A_761 = arith.addi %mul3A_2, %mul3A_760 : i32
        %dma_start3A_762 = arith.constant 4 : i32
        %dma_start3A_763 = arith.constant 0 : i32
        %dma_start3A_764 = tpu.memref_slice %arg5[%dma_start3A_762, %dma_start3A_763] : memref<8x200xi32, #tpu.memory_space<vmem>> -> memref<1x200xi32, #tpu.memory_space<vmem>>
        %dma_start3A_765 = tpu.memref_squeeze %dma_start3A_764 : memref<1x200xi32, #tpu.memory_space<vmem>> -> memref<200xi32, #tpu.memory_space<vmem>>
        %dma_start3A_766 = tpu.memref_slice %arg2[%add3A_761] : memref<819200xi32, #tpu.memory_space<hbm>> -> memref<200xi32, #tpu.memory_space<hbm>>
        %dma_start3A_767 = arith.constant 0 : i32
        %dma_start3A_768 = tpu.memref_slice %arg5[%dma_start3A_762, %dma_start3A_767] : memref<8x200xi32, #tpu.memory_space<vmem>> -> memref<1x200xi32, #tpu.memory_space<vmem>>
        %dma_start3A_769 = tpu.memref_squeeze %dma_start3A_768 : memref<1x200xi32, #tpu.memory_space<vmem>> -> memref<200xi32, #tpu.memory_space<vmem>>
        %dma_start3A_770 = tpu.memref_slice %arg2[%add3A_761] : memref<819200xi32, #tpu.memory_space<hbm>> -> memref<200xi32, #tpu.memory_space<hbm>>
        tpu.enqueue_dma source(%dma_start3A_770 : memref<200xi32, #tpu.memory_space<hbm>>) target(%dma_start3A_769 : memref<200xi32, #tpu.memory_space<vmem>>) target_semaphore(%arg11 : memref<!tpu.dma_semaphore, #tpu.memory_space<semaphore_mem>>)
      } else {
      }
      %add3A_646 = arith.constant 5 : i32
      %add3A_647 = arith.addi %mul3A_216, %add3A_646 : i32
      %dma_wait3A_648 = arith.constant 5 : i32
      %dma_wait3A_649 = arith.constant 5 : i32
      %dma_wait3A_650 = arith.constant 0 : i32
      %dma_wait3A_651 = arith.constant 0 : i32
      %dma_wait3A_652 = tpu.memref_slice %arg6[%dma_wait3A_649, %dma_wait3A_650, %dma_wait3A_651] : memref<8x200x64xf32, #tpu.memory_space<vmem>> -> memref<1x200x64xf32, #tpu.memory_space<vmem>>
      %dma_wait3A_653 = tpu.memref_squeeze %dma_wait3A_652 : memref<1x200x64xf32, #tpu.memory_space<vmem>> -> memref<200x64xf32, #tpu.memory_space<vmem>>
      %dma_wait3A_654 = arith.constant 0 : i32
      %dma_wait3A_655 = tpu.memref_slice %arg5[%dma_wait3A_648, %dma_wait3A_654] : memref<8x200xi32, #tpu.memory_space<vmem>> -> memref<1x200xi32, #tpu.memory_space<vmem>>
      %dma_wait3A_656 = tpu.memref_squeeze %dma_wait3A_655 : memref<1x200xi32, #tpu.memory_space<vmem>> -> memref<200xi32, #tpu.memory_space<vmem>>
      %dma_wait3A_657 = arith.constant 0 : i32
      %dma_wait3A_658 = arith.constant 0 : i32
      %dma_wait3A_659 = tpu.memref_slice %arg3[%dma_wait3A_657, %dma_wait3A_658] : memref<1000000x64xf32, #tpu.memory_space<hbm>> -> memref<1000000x64xf32, #tpu.memory_space<hbm>>
      tpu.wait_indirect_dma semaphore(%arg20 : memref<!tpu.dma_semaphore, #tpu.memory_space<semaphore_mem>>) src(%dma_wait3A_659 : memref<1000000x64xf32, #tpu.memory_space<hbm>>) dst(%dma_wait3A_653 : memref<200x64xf32, #tpu.memory_space<vmem>>)
      %mul3A_660 = arith.constant 200 : i32
      %mul3A_661 = arith.muli %add3A_647, %mul3A_660 : i32
      %add3A_662 = arith.addi %mul3A_2, %mul3A_661 : i32
      %dma_start3A_663 = arith.constant 5 : i32
      %dma_start3A_664 = arith.constant 0 : i32
      %dma_start3A_665 = arith.constant 0 : i32
      %dma_start3A_666 = tpu.memref_slice %arg6[%dma_start3A_663, %dma_start3A_664, %dma_start3A_665] : memref<8x200x64xf32, #tpu.memory_space<vmem>> -> memref<1x200x64xf32, #tpu.memory_space<vmem>>
      %dma_start3A_667 = tpu.memref_squeeze %dma_start3A_666 : memref<1x200x64xf32, #tpu.memory_space<vmem>> -> memref<200x64xf32, #tpu.memory_space<vmem>>
      %dma_start3A_668 = arith.constant 0 : i32
      %dma_start3A_669 = tpu.memref_slice %arg4[%add3A_662, %dma_start3A_668] : memref<819200x64xf32, #tpu.memory_space<hbm>> -> memref<200x64xf32, #tpu.memory_space<hbm>>
      %dma_start3A_670 = arith.constant 0 : i32
      %dma_start3A_671 = tpu.memref_slice %arg4[%add3A_662, %dma_start3A_670] : memref<819200x64xf32, #tpu.memory_space<hbm>> -> memref<200x64xf32, #tpu.memory_space<hbm>>
      %dma_start3A_672 = arith.constant 0 : i32
      %dma_start3A_673 = arith.constant 0 : i32
      %dma_start3A_674 = tpu.memref_slice %arg6[%dma_start3A_663, %dma_start3A_672, %dma_start3A_673] : memref<8x200x64xf32, #tpu.memory_space<vmem>> -> memref<1x200x64xf32, #tpu.memory_space<vmem>>
      %dma_start3A_675 = tpu.memref_squeeze %dma_start3A_674 : memref<1x200x64xf32, #tpu.memory_space<vmem>> -> memref<200x64xf32, #tpu.memory_space<vmem>>
      tpu.enqueue_dma source(%dma_start3A_675 : memref<200x64xf32, #tpu.memory_space<vmem>>) target(%dma_start3A_671 : memref<200x64xf32, #tpu.memory_space<hbm>>) target_semaphore(%arg28 : memref<!tpu.dma_semaphore, #tpu.memory_space<semaphore_mem>>)
      %add3A_676 = arith.constant 8 : i32
      %add3A_677 = arith.addi %add3A_647, %add3A_676 : i32
      %lt3A_678 = arith.constant 128 : i32
      %lt3A_679 = arith.cmpi slt, %add3A_677, %lt3A_678 : i32
      %convert_element_type3A_680 = arith.extui %lt3A_679 : i1 to i32
      %cond3A_681 = arith.constant 0 : i32
      %cond3A_682 = arith.cmpi ne, %convert_element_type3A_680, %cond3A_681 : i32
      scf.if %cond3A_682 {
        %add3A_757 = arith.constant 8 : i32
        %add3A_758 = arith.addi %add3A_647, %add3A_757 : i32
        %mul3A_759 = arith.constant 200 : i32
        %mul3A_760 = arith.muli %add3A_758, %mul3A_759 : i32
        %add3A_761 = arith.addi %mul3A_2, %mul3A_760 : i32
        %dma_start3A_762 = arith.constant 5 : i32
        %dma_start3A_763 = arith.constant 0 : i32
        %dma_start3A_764 = tpu.memref_slice %arg5[%dma_start3A_762, %dma_start3A_763] : memref<8x200xi32, #tpu.memory_space<vmem>> -> memref<1x200xi32, #tpu.memory_space<vmem>>
        %dma_start3A_765 = tpu.memref_squeeze %dma_start3A_764 : memref<1x200xi32, #tpu.memory_space<vmem>> -> memref<200xi32, #tpu.memory_space<vmem>>
        %dma_start3A_766 = tpu.memref_slice %arg2[%add3A_761] : memref<819200xi32, #tpu.memory_space<hbm>> -> memref<200xi32, #tpu.memory_space<hbm>>
        %dma_start3A_767 = arith.constant 0 : i32
        %dma_start3A_768 = tpu.memref_slice %arg5[%dma_start3A_762, %dma_start3A_767] : memref<8x200xi32, #tpu.memory_space<vmem>> -> memref<1x200xi32, #tpu.memory_space<vmem>>
        %dma_start3A_769 = tpu.memref_squeeze %dma_start3A_768 : memref<1x200xi32, #tpu.memory_space<vmem>> -> memref<200xi32, #tpu.memory_space<vmem>>
        %dma_start3A_770 = tpu.memref_slice %arg2[%add3A_761] : memref<819200xi32, #tpu.memory_space<hbm>> -> memref<200xi32, #tpu.memory_space<hbm>>
        tpu.enqueue_dma source(%dma_start3A_770 : memref<200xi32, #tpu.memory_space<hbm>>) target(%dma_start3A_769 : memref<200xi32, #tpu.memory_space<vmem>>) target_semaphore(%arg12 : memref<!tpu.dma_semaphore, #tpu.memory_space<semaphore_mem>>)
      } else {
      }
      %add3A_683 = arith.constant 6 : i32
      %add3A_684 = arith.addi %mul3A_216, %add3A_683 : i32
      %dma_wait3A_685 = arith.constant 6 : i32
      %dma_wait3A_686 = arith.constant 6 : i32
      %dma_wait3A_687 = arith.constant 0 : i32
      %dma_wait3A_688 = arith.constant 0 : i32
      %dma_wait3A_689 = tpu.memref_slice %arg6[%dma_wait3A_686, %dma_wait3A_687, %dma_wait3A_688] : memref<8x200x64xf32, #tpu.memory_space<vmem>> -> memref<1x200x64xf32, #tpu.memory_space<vmem>>
      %dma_wait3A_690 = tpu.memref_squeeze %dma_wait3A_689 : memref<1x200x64xf32, #tpu.memory_space<vmem>> -> memref<200x64xf32, #tpu.memory_space<vmem>>
      %dma_wait3A_691 = arith.constant 0 : i32
      %dma_wait3A_692 = tpu.memref_slice %arg5[%dma_wait3A_685, %dma_wait3A_691] : memref<8x200xi32, #tpu.memory_space<vmem>> -> memref<1x200xi32, #tpu.memory_space<vmem>>
      %dma_wait3A_693 = tpu.memref_squeeze %dma_wait3A_692 : memref<1x200xi32, #tpu.memory_space<vmem>> -> memref<200xi32, #tpu.memory_space<vmem>>
      %dma_wait3A_694 = arith.constant 0 : i32
      %dma_wait3A_695 = arith.constant 0 : i32
      %dma_wait3A_696 = tpu.memref_slice %arg3[%dma_wait3A_694, %dma_wait3A_695] : memref<1000000x64xf32, #tpu.memory_space<hbm>> -> memref<1000000x64xf32, #tpu.memory_space<hbm>>
      tpu.wait_indirect_dma semaphore(%arg21 : memref<!tpu.dma_semaphore, #tpu.memory_space<semaphore_mem>>) src(%dma_wait3A_696 : memref<1000000x64xf32, #tpu.memory_space<hbm>>) dst(%dma_wait3A_690 : memref<200x64xf32, #tpu.memory_space<vmem>>)
      %mul3A_697 = arith.constant 200 : i32
      %mul3A_698 = arith.muli %add3A_684, %mul3A_697 : i32
      %add3A_699 = arith.addi %mul3A_2, %mul3A_698 : i32
      %dma_start3A_700 = arith.constant 6 : i32
      %dma_start3A_701 = arith.constant 0 : i32
      %dma_start3A_702 = arith.constant 0 : i32
      %dma_start3A_703 = tpu.memref_slice %arg6[%dma_start3A_700, %dma_start3A_701, %dma_start3A_702] : memref<8x200x64xf32, #tpu.memory_space<vmem>> -> memref<1x200x64xf32, #tpu.memory_space<vmem>>
      %dma_start3A_704 = tpu.memref_squeeze %dma_start3A_703 : memref<1x200x64xf32, #tpu.memory_space<vmem>> -> memref<200x64xf32, #tpu.memory_space<vmem>>
      %dma_start3A_705 = arith.constant 0 : i32
      %dma_start3A_706 = tpu.memref_slice %arg4[%add3A_699, %dma_start3A_705] : memref<819200x64xf32, #tpu.memory_space<hbm>> -> memref<200x64xf32, #tpu.memory_space<hbm>>
      %dma_start3A_707 = arith.constant 0 : i32
      %dma_start3A_708 = tpu.memref_slice %arg4[%add3A_699, %dma_start3A_707] : memref<819200x64xf32, #tpu.memory_space<hbm>> -> memref<200x64xf32, #tpu.memory_space<hbm>>
      %dma_start3A_709 = arith.constant 0 : i32
      %dma_start3A_710 = arith.constant 0 : i32
      %dma_start3A_711 = tpu.memref_slice %arg6[%dma_start3A_700, %dma_start3A_709, %dma_start3A_710] : memref<8x200x64xf32, #tpu.memory_space<vmem>> -> memref<1x200x64xf32, #tpu.memory_space<vmem>>
      %dma_start3A_712 = tpu.memref_squeeze %dma_start3A_711 : memref<1x200x64xf32, #tpu.memory_space<vmem>> -> memref<200x64xf32, #tpu.memory_space<vmem>>
      tpu.enqueue_dma source(%dma_start3A_712 : memref<200x64xf32, #tpu.memory_space<vmem>>) target(%dma_start3A_708 : memref<200x64xf32, #tpu.memory_space<hbm>>) target_semaphore(%arg29 : memref<!tpu.dma_semaphore, #tpu.memory_space<semaphore_mem>>)
      %add3A_713 = arith.constant 8 : i32
      %add3A_714 = arith.addi %add3A_684, %add3A_713 : i32
      %lt3A_715 = arith.constant 128 : i32
      %lt3A_716 = arith.cmpi slt, %add3A_714, %lt3A_715 : i32
      %convert_element_type3A_717 = arith.extui %lt3A_716 : i1 to i32
      %cond3A_718 = arith.constant 0 : i32
      %cond3A_719 = arith.cmpi ne, %convert_element_type3A_717, %cond3A_718 : i32
      scf.if %cond3A_719 {
        %add3A_757 = arith.constant 8 : i32
        %add3A_758 = arith.addi %add3A_684, %add3A_757 : i32
        %mul3A_759 = arith.constant 200 : i32
        %mul3A_760 = arith.muli %add3A_758, %mul3A_759 : i32
        %add3A_761 = arith.addi %mul3A_2, %mul3A_760 : i32
        %dma_start3A_762 = arith.constant 6 : i32
        %dma_start3A_763 = arith.constant 0 : i32
        %dma_start3A_764 = tpu.memref_slice %arg5[%dma_start3A_762, %dma_start3A_763] : memref<8x200xi32, #tpu.memory_space<vmem>> -> memref<1x200xi32, #tpu.memory_space<vmem>>
        %dma_start3A_765 = tpu.memref_squeeze %dma_start3A_764 : memref<1x200xi32, #tpu.memory_space<vmem>> -> memref<200xi32, #tpu.memory_space<vmem>>
        %dma_start3A_766 = tpu.memref_slice %arg2[%add3A_761] : memref<819200xi32, #tpu.memory_space<hbm>> -> memref<200xi32, #tpu.memory_space<hbm>>
        %dma_start3A_767 = arith.constant 0 : i32
        %dma_start3A_768 = tpu.memref_slice %arg5[%dma_start3A_762, %dma_start3A_767] : memref<8x200xi32, #tpu.memory_space<vmem>> -> memref<1x200xi32, #tpu.memory_space<vmem>>
        %dma_start3A_769 = tpu.memref_squeeze %dma_start3A_768 : memref<1x200xi32, #tpu.memory_space<vmem>> -> memref<200xi32, #tpu.memory_space<vmem>>
        %dma_start3A_770 = tpu.memref_slice %arg2[%add3A_761] : memref<819200xi32, #tpu.memory_space<hbm>> -> memref<200xi32, #tpu.memory_space<hbm>>
        tpu.enqueue_dma source(%dma_start3A_770 : memref<200xi32, #tpu.memory_space<hbm>>) target(%dma_start3A_769 : memref<200xi32, #tpu.memory_space<vmem>>) target_semaphore(%arg13 : memref<!tpu.dma_semaphore, #tpu.memory_space<semaphore_mem>>)
      } else {
      }
      %add3A_720 = arith.constant 7 : i32
      %add3A_721 = arith.addi %mul3A_216, %add3A_720 : i32
      %dma_wait3A_722 = arith.constant 7 : i32
      %dma_wait3A_723 = arith.constant 7 : i32
      %dma_wait3A_724 = arith.constant 0 : i32
      %dma_wait3A_725 = arith.constant 0 : i32
      %dma_wait3A_726 = tpu.memref_slice %arg6[%dma_wait3A_723, %dma_wait3A_724, %dma_wait3A_725] : memref<8x200x64xf32, #tpu.memory_space<vmem>> -> memref<1x200x64xf32, #tpu.memory_space<vmem>>
      %dma_wait3A_727 = tpu.memref_squeeze %dma_wait3A_726 : memref<1x200x64xf32, #tpu.memory_space<vmem>> -> memref<200x64xf32, #tpu.memory_space<vmem>>
      %dma_wait3A_728 = arith.constant 0 : i32
      %dma_wait3A_729 = tpu.memref_slice %arg5[%dma_wait3A_722, %dma_wait3A_728] : memref<8x200xi32, #tpu.memory_space<vmem>> -> memref<1x200xi32, #tpu.memory_space<vmem>>
      %dma_wait3A_730 = tpu.memref_squeeze %dma_wait3A_729 : memref<1x200xi32, #tpu.memory_space<vmem>> -> memref<200xi32, #tpu.memory_space<vmem>>
      %dma_wait3A_731 = arith.constant 0 : i32
      %dma_wait3A_732 = arith.constant 0 : i32
      %dma_wait3A_733 = tpu.memref_slice %arg3[%dma_wait3A_731, %dma_wait3A_732] : memref<1000000x64xf32, #tpu.memory_space<hbm>> -> memref<1000000x64xf32, #tpu.memory_space<hbm>>
      tpu.wait_indirect_dma semaphore(%arg22 : memref<!tpu.dma_semaphore, #tpu.memory_space<semaphore_mem>>) src(%dma_wait3A_733 : memref<1000000x64xf32, #tpu.memory_space<hbm>>) dst(%dma_wait3A_727 : memref<200x64xf32, #tpu.memory_space<vmem>>)
      %mul3A_734 = arith.constant 200 : i32
      %mul3A_735 = arith.muli %add3A_721, %mul3A_734 : i32
      %add3A_736 = arith.addi %mul3A_2, %mul3A_735 : i32
      %dma_start3A_737 = arith.constant 7 : i32
      %dma_start3A_738 = arith.constant 0 : i32
      %dma_start3A_739 = arith.constant 0 : i32
      %dma_start3A_740 = tpu.memref_slice %arg6[%dma_start3A_737, %dma_start3A_738, %dma_start3A_739] : memref<8x200x64xf32, #tpu.memory_space<vmem>> -> memref<1x200x64xf32, #tpu.memory_space<vmem>>
      %dma_start3A_741 = tpu.memref_squeeze %dma_start3A_740 : memref<1x200x64xf32, #tpu.memory_space<vmem>> -> memref<200x64xf32, #tpu.memory_space<vmem>>
      %dma_start3A_742 = arith.constant 0 : i32
      %dma_start3A_743 = tpu.memref_slice %arg4[%add3A_736, %dma_start3A_742] : memref<819200x64xf32, #tpu.memory_space<hbm>> -> memref<200x64xf32, #tpu.memory_space<hbm>>
      %dma_start3A_744 = arith.constant 0 : i32
      %dma_start3A_745 = tpu.memref_slice %arg4[%add3A_736, %dma_start3A_744] : memref<819200x64xf32, #tpu.memory_space<hbm>> -> memref<200x64xf32, #tpu.memory_space<hbm>>
      %dma_start3A_746 = arith.constant 0 : i32
      %dma_start3A_747 = arith.constant 0 : i32
      %dma_start3A_748 = tpu.memref_slice %arg6[%dma_start3A_737, %dma_start3A_746, %dma_start3A_747] : memref<8x200x64xf32, #tpu.memory_space<vmem>> -> memref<1x200x64xf32, #tpu.memory_space<vmem>>
      %dma_start3A_749 = tpu.memref_squeeze %dma_start3A_748 : memref<1x200x64xf32, #tpu.memory_space<vmem>> -> memref<200x64xf32, #tpu.memory_space<vmem>>
      tpu.enqueue_dma source(%dma_start3A_749 : memref<200x64xf32, #tpu.memory_space<vmem>>) target(%dma_start3A_745 : memref<200x64xf32, #tpu.memory_space<hbm>>) target_semaphore(%arg30 : memref<!tpu.dma_semaphore, #tpu.memory_space<semaphore_mem>>)
      %add3A_750 = arith.constant 8 : i32
      %add3A_751 = arith.addi %add3A_721, %add3A_750 : i32
      %lt3A_752 = arith.constant 128 : i32
      %lt3A_753 = arith.cmpi slt, %add3A_751, %lt3A_752 : i32
      %convert_element_type3A_754 = arith.extui %lt3A_753 : i1 to i32
      %cond3A_755 = arith.constant 0 : i32
      %cond3A_756 = arith.cmpi ne, %convert_element_type3A_754, %cond3A_755 : i32
      scf.if %cond3A_756 {
        %add3A_757 = arith.constant 8 : i32
        %add3A_758 = arith.addi %add3A_721, %add3A_757 : i32
        %mul3A_759 = arith.constant 200 : i32
        %mul3A_760 = arith.muli %add3A_758, %mul3A_759 : i32
        %add3A_761 = arith.addi %mul3A_2, %mul3A_760 : i32
        %dma_start3A_762 = arith.constant 7 : i32
        %dma_start3A_763 = arith.constant 0 : i32
        %dma_start3A_764 = tpu.memref_slice %arg5[%dma_start3A_762, %dma_start3A_763] : memref<8x200xi32, #tpu.memory_space<vmem>> -> memref<1x200xi32, #tpu.memory_space<vmem>>
        %dma_start3A_765 = tpu.memref_squeeze %dma_start3A_764 : memref<1x200xi32, #tpu.memory_space<vmem>> -> memref<200xi32, #tpu.memory_space<vmem>>
        %dma_start3A_766 = tpu.memref_slice %arg2[%add3A_761] : memref<819200xi32, #tpu.memory_space<hbm>> -> memref<200xi32, #tpu.memory_space<hbm>>
        %dma_start3A_767 = arith.constant 0 : i32
        %dma_start3A_768 = tpu.memref_slice %arg5[%dma_start3A_762, %dma_start3A_767] : memref<8x200xi32, #tpu.memory_space<vmem>> -> memref<1x200xi32, #tpu.memory_space<vmem>>
        %dma_start3A_769 = tpu.memref_squeeze %dma_start3A_768 : memref<1x200xi32, #tpu.memory_space<vmem>> -> memref<200xi32, #tpu.memory_space<vmem>>
        %dma_start3A_770 = tpu.memref_slice %arg2[%add3A_761] : memref<819200xi32, #tpu.memory_space<hbm>> -> memref<200xi32, #tpu.memory_space<hbm>>
        tpu.enqueue_dma source(%dma_start3A_770 : memref<200xi32, #tpu.memory_space<hbm>>) target(%dma_start3A_769 : memref<200xi32, #tpu.memory_space<vmem>>) target_semaphore(%arg14 : memref<!tpu.dma_semaphore, #tpu.memory_space<semaphore_mem>>)
      } else {
      }
    }
    %scan3A_94 = arith.constant 16 : i32
    %add3A_95 = arith.constant 24000 : i32
    %add3A_96 = arith.addi %mul3A_2, %add3A_95 : i32
    %dma_wait3A = arith.constant 0 : i32
    %dma_wait3A_97 = arith.constant 0 : i32
    %dma_wait3A_98 = arith.constant 0 : i32
    %dma_wait3A_99 = tpu.memref_slice %arg6[%dma_wait3A, %dma_wait3A_97, %dma_wait3A_98] : memref<8x200x64xf32, #tpu.memory_space<vmem>> -> memref<1x200x64xf32, #tpu.memory_space<vmem>>
    %dma_wait3A_100 = tpu.memref_squeeze %dma_wait3A_99 : memref<1x200x64xf32, #tpu.memory_space<vmem>> -> memref<200x64xf32, #tpu.memory_space<vmem>>
    %dma_wait3A_101 = arith.constant 0 : i32
    %dma_wait3A_102 = tpu.memref_slice %arg4[%add3A_96, %dma_wait3A_101] : memref<819200x64xf32, #tpu.memory_space<hbm>> -> memref<200x64xf32, #tpu.memory_space<hbm>>
    %dma_wait3A_103 = arith.constant 0 : i32
    %dma_wait3A_104 = tpu.memref_slice %arg4[%add3A_96, %dma_wait3A_103] : memref<819200x64xf32, #tpu.memory_space<hbm>> -> memref<200x64xf32, #tpu.memory_space<hbm>>
    %dma_wait3A_105 = arith.constant 0 : i32
    %dma_wait3A_106 = arith.constant 0 : i32
    %dma_wait3A_107 = tpu.memref_slice %arg6[%dma_wait3A, %dma_wait3A_105, %dma_wait3A_106] : memref<8x200x64xf32, #tpu.memory_space<vmem>> -> memref<1x200x64xf32, #tpu.memory_space<vmem>>
    %dma_wait3A_108 = tpu.memref_squeeze %dma_wait3A_107 : memref<1x200x64xf32, #tpu.memory_space<vmem>> -> memref<200x64xf32, #tpu.memory_space<vmem>>
    tpu.wait_dma2 semaphore(%arg23 : memref<!tpu.dma_semaphore, #tpu.memory_space<semaphore_mem>>) src(%dma_wait3A_108 : memref<200x64xf32, #tpu.memory_space<vmem>>) dst(%dma_wait3A_104 : memref<200x64xf32, #tpu.memory_space<hbm>>)
    %add3A_109 = arith.constant 24200 : i32
    %add3A_110 = arith.addi %mul3A_2, %add3A_109 : i32
    %dma_wait3A_111 = arith.constant 1 : i32
    %dma_wait3A_112 = arith.constant 0 : i32
    %dma_wait3A_113 = arith.constant 0 : i32
    %dma_wait3A_114 = tpu.memref_slice %arg6[%dma_wait3A_111, %dma_wait3A_112, %dma_wait3A_113] : memref<8x200x64xf32, #tpu.memory_space<vmem>> -> memref<1x200x64xf32, #tpu.memory_space<vmem>>
    %dma_wait3A_115 = tpu.memref_squeeze %dma_wait3A_114 : memref<1x200x64xf32, #tpu.memory_space<vmem>> -> memref<200x64xf32, #tpu.memory_space<vmem>>
    %dma_wait3A_116 = arith.constant 0 : i32
    %dma_wait3A_117 = tpu.memref_slice %arg4[%add3A_110, %dma_wait3A_116] : memref<819200x64xf32, #tpu.memory_space<hbm>> -> memref<200x64xf32, #tpu.memory_space<hbm>>
    %dma_wait3A_118 = arith.constant 0 : i32
    %dma_wait3A_119 = tpu.memref_slice %arg4[%add3A_110, %dma_wait3A_118] : memref<819200x64xf32, #tpu.memory_space<hbm>> -> memref<200x64xf32, #tpu.memory_space<hbm>>
    %dma_wait3A_120 = arith.constant 0 : i32
    %dma_wait3A_121 = arith.constant 0 : i32
    %dma_wait3A_122 = tpu.memref_slice %arg6[%dma_wait3A_111, %dma_wait3A_120, %dma_wait3A_121] : memref<8x200x64xf32, #tpu.memory_space<vmem>> -> memref<1x200x64xf32, #tpu.memory_space<vmem>>
    %dma_wait3A_123 = tpu.memref_squeeze %dma_wait3A_122 : memref<1x200x64xf32, #tpu.memory_space<vmem>> -> memref<200x64xf32, #tpu.memory_space<vmem>>
    tpu.wait_dma2 semaphore(%arg24 : memref<!tpu.dma_semaphore, #tpu.memory_space<semaphore_mem>>) src(%dma_wait3A_123 : memref<200x64xf32, #tpu.memory_space<vmem>>) dst(%dma_wait3A_119 : memref<200x64xf32, #tpu.memory_space<hbm>>)
    %add3A_124 = arith.constant 24400 : i32
    %add3A_125 = arith.addi %mul3A_2, %add3A_124 : i32
    %dma_wait3A_126 = arith.constant 2 : i32
    %dma_wait3A_127 = arith.constant 0 : i32
    %dma_wait3A_128 = arith.constant 0 : i32
    %dma_wait3A_129 = tpu.memref_slice %arg6[%dma_wait3A_126, %dma_wait3A_127, %dma_wait3A_128] : memref<8x200x64xf32, #tpu.memory_space<vmem>> -> memref<1x200x64xf32, #tpu.memory_space<vmem>>
    %dma_wait3A_130 = tpu.memref_squeeze %dma_wait3A_129 : memref<1x200x64xf32, #tpu.memory_space<vmem>> -> memref<200x64xf32, #tpu.memory_space<vmem>>
    %dma_wait3A_131 = arith.constant 0 : i32
    %dma_wait3A_132 = tpu.memref_slice %arg4[%add3A_125, %dma_wait3A_131] : memref<819200x64xf32, #tpu.memory_space<hbm>> -> memref<200x64xf32, #tpu.memory_space<hbm>>
    %dma_wait3A_133 = arith.constant 0 : i32
    %dma_wait3A_134 = tpu.memref_slice %arg4[%add3A_125, %dma_wait3A_133] : memref<819200x64xf32, #tpu.memory_space<hbm>> -> memref<200x64xf32, #tpu.memory_space<hbm>>
    %dma_wait3A_135 = arith.constant 0 : i32
    %dma_wait3A_136 = arith.constant 0 : i32
    %dma_wait3A_137 = tpu.memref_slice %arg6[%dma_wait3A_126, %dma_wait3A_135, %dma_wait3A_136] : memref<8x200x64xf32, #tpu.memory_space<vmem>> -> memref<1x200x64xf32, #tpu.memory_space<vmem>>
    %dma_wait3A_138 = tpu.memref_squeeze %dma_wait3A_137 : memref<1x200x64xf32, #tpu.memory_space<vmem>> -> memref<200x64xf32, #tpu.memory_space<vmem>>
    tpu.wait_dma2 semaphore(%arg25 : memref<!tpu.dma_semaphore, #tpu.memory_space<semaphore_mem>>) src(%dma_wait3A_138 : memref<200x64xf32, #tpu.memory_space<vmem>>) dst(%dma_wait3A_134 : memref<200x64xf32, #tpu.memory_space<hbm>>)
    %add3A_139 = arith.constant 24600 : i32
    %add3A_140 = arith.addi %mul3A_2, %add3A_139 : i32
    %dma_wait3A_141 = arith.constant 3 : i32
    %dma_wait3A_142 = arith.constant 0 : i32
    %dma_wait3A_143 = arith.constant 0 : i32
    %dma_wait3A_144 = tpu.memref_slice %arg6[%dma_wait3A_141, %dma_wait3A_142, %dma_wait3A_143] : memref<8x200x64xf32, #tpu.memory_space<vmem>> -> memref<1x200x64xf32, #tpu.memory_space<vmem>>
    %dma_wait3A_145 = tpu.memref_squeeze %dma_wait3A_144 : memref<1x200x64xf32, #tpu.memory_space<vmem>> -> memref<200x64xf32, #tpu.memory_space<vmem>>
    %dma_wait3A_146 = arith.constant 0 : i32
    %dma_wait3A_147 = tpu.memref_slice %arg4[%add3A_140, %dma_wait3A_146] : memref<819200x64xf32, #tpu.memory_space<hbm>> -> memref<200x64xf32, #tpu.memory_space<hbm>>
    %dma_wait3A_148 = arith.constant 0 : i32
    %dma_wait3A_149 = tpu.memref_slice %arg4[%add3A_140, %dma_wait3A_148] : memref<819200x64xf32, #tpu.memory_space<hbm>> -> memref<200x64xf32, #tpu.memory_space<hbm>>
    %dma_wait3A_150 = arith.constant 0 : i32
    %dma_wait3A_151 = arith.constant 0 : i32
    %dma_wait3A_152 = tpu.memref_slice %arg6[%dma_wait3A_141, %dma_wait3A_150, %dma_wait3A_151] : memref<8x200x64xf32, #tpu.memory_space<vmem>> -> memref<1x200x64xf32, #tpu.memory_space<vmem>>
    %dma_wait3A_153 = tpu.memref_squeeze %dma_wait3A_152 : memref<1x200x64xf32, #tpu.memory_space<vmem>> -> memref<200x64xf32, #tpu.memory_space<vmem>>
    tpu.wait_dma2 semaphore(%arg26 : memref<!tpu.dma_semaphore, #tpu.memory_space<semaphore_mem>>) src(%dma_wait3A_153 : memref<200x64xf32, #tpu.memory_space<vmem>>) dst(%dma_wait3A_149 : memref<200x64xf32, #tpu.memory_space<hbm>>)
    %add3A_154 = arith.constant 24800 : i32
    %add3A_155 = arith.addi %mul3A_2, %add3A_154 : i32
    %dma_wait3A_156 = arith.constant 4 : i32
    %dma_wait3A_157 = arith.constant 0 : i32
    %dma_wait3A_158 = arith.constant 0 : i32
    %dma_wait3A_159 = tpu.memref_slice %arg6[%dma_wait3A_156, %dma_wait3A_157, %dma_wait3A_158] : memref<8x200x64xf32, #tpu.memory_space<vmem>> -> memref<1x200x64xf32, #tpu.memory_space<vmem>>
    %dma_wait3A_160 = tpu.memref_squeeze %dma_wait3A_159 : memref<1x200x64xf32, #tpu.memory_space<vmem>> -> memref<200x64xf32, #tpu.memory_space<vmem>>
    %dma_wait3A_161 = arith.constant 0 : i32
    %dma_wait3A_162 = tpu.memref_slice %arg4[%add3A_155, %dma_wait3A_161] : memref<819200x64xf32, #tpu.memory_space<hbm>> -> memref<200x64xf32, #tpu.memory_space<hbm>>
    %dma_wait3A_163 = arith.constant 0 : i32
    %dma_wait3A_164 = tpu.memref_slice %arg4[%add3A_155, %dma_wait3A_163] : memref<819200x64xf32, #tpu.memory_space<hbm>> -> memref<200x64xf32, #tpu.memory_space<hbm>>
    %dma_wait3A_165 = arith.constant 0 : i32
    %dma_wait3A_166 = arith.constant 0 : i32
    %dma_wait3A_167 = tpu.memref_slice %arg6[%dma_wait3A_156, %dma_wait3A_165, %dma_wait3A_166] : memref<8x200x64xf32, #tpu.memory_space<vmem>> -> memref<1x200x64xf32, #tpu.memory_space<vmem>>
    %dma_wait3A_168 = tpu.memref_squeeze %dma_wait3A_167 : memref<1x200x64xf32, #tpu.memory_space<vmem>> -> memref<200x64xf32, #tpu.memory_space<vmem>>
    tpu.wait_dma2 semaphore(%arg27 : memref<!tpu.dma_semaphore, #tpu.memory_space<semaphore_mem>>) src(%dma_wait3A_168 : memref<200x64xf32, #tpu.memory_space<vmem>>) dst(%dma_wait3A_164 : memref<200x64xf32, #tpu.memory_space<hbm>>)
    %add3A_169 = arith.constant 25000 : i32
    %add3A_170 = arith.addi %mul3A_2, %add3A_169 : i32
    %dma_wait3A_171 = arith.constant 5 : i32
    %dma_wait3A_172 = arith.constant 0 : i32
    %dma_wait3A_173 = arith.constant 0 : i32
    %dma_wait3A_174 = tpu.memref_slice %arg6[%dma_wait3A_171, %dma_wait3A_172, %dma_wait3A_173] : memref<8x200x64xf32, #tpu.memory_space<vmem>> -> memref<1x200x64xf32, #tpu.memory_space<vmem>>
    %dma_wait3A_175 = tpu.memref_squeeze %dma_wait3A_174 : memref<1x200x64xf32, #tpu.memory_space<vmem>> -> memref<200x64xf32, #tpu.memory_space<vmem>>
    %dma_wait3A_176 = arith.constant 0 : i32
    %dma_wait3A_177 = tpu.memref_slice %arg4[%add3A_170, %dma_wait3A_176] : memref<819200x64xf32, #tpu.memory_space<hbm>> -> memref<200x64xf32, #tpu.memory_space<hbm>>
    %dma_wait3A_178 = arith.constant 0 : i32
    %dma_wait3A_179 = tpu.memref_slice %arg4[%add3A_170, %dma_wait3A_178] : memref<819200x64xf32, #tpu.memory_space<hbm>> -> memref<200x64xf32, #tpu.memory_space<hbm>>
    %dma_wait3A_180 = arith.constant 0 : i32
    %dma_wait3A_181 = arith.constant 0 : i32
    %dma_wait3A_182 = tpu.memref_slice %arg6[%dma_wait3A_171, %dma_wait3A_180, %dma_wait3A_181] : memref<8x200x64xf32, #tpu.memory_space<vmem>> -> memref<1x200x64xf32, #tpu.memory_space<vmem>>
    %dma_wait3A_183 = tpu.memref_squeeze %dma_wait3A_182 : memref<1x200x64xf32, #tpu.memory_space<vmem>> -> memref<200x64xf32, #tpu.memory_space<vmem>>
    tpu.wait_dma2 semaphore(%arg28 : memref<!tpu.dma_semaphore, #tpu.memory_space<semaphore_mem>>) src(%dma_wait3A_183 : memref<200x64xf32, #tpu.memory_space<vmem>>) dst(%dma_wait3A_179 : memref<200x64xf32, #tpu.memory_space<hbm>>)
    %add3A_184 = arith.constant 25200 : i32
    %add3A_185 = arith.addi %mul3A_2, %add3A_184 : i32
    %dma_wait3A_186 = arith.constant 6 : i32
    %dma_wait3A_187 = arith.constant 0 : i32
    %dma_wait3A_188 = arith.constant 0 : i32
    %dma_wait3A_189 = tpu.memref_slice %arg6[%dma_wait3A_186, %dma_wait3A_187, %dma_wait3A_188] : memref<8x200x64xf32, #tpu.memory_space<vmem>> -> memref<1x200x64xf32, #tpu.memory_space<vmem>>
    %dma_wait3A_190 = tpu.memref_squeeze %dma_wait3A_189 : memref<1x200x64xf32, #tpu.memory_space<vmem>> -> memref<200x64xf32, #tpu.memory_space<vmem>>
    %dma_wait3A_191 = arith.constant 0 : i32
    %dma_wait3A_192 = tpu.memref_slice %arg4[%add3A_185, %dma_wait3A_191] : memref<819200x64xf32, #tpu.memory_space<hbm>> -> memref<200x64xf32, #tpu.memory_space<hbm>>
    %dma_wait3A_193 = arith.constant 0 : i32
    %dma_wait3A_194 = tpu.memref_slice %arg4[%add3A_185, %dma_wait3A_193] : memref<819200x64xf32, #tpu.memory_space<hbm>> -> memref<200x64xf32, #tpu.memory_space<hbm>>
    %dma_wait3A_195 = arith.constant 0 : i32
    %dma_wait3A_196 = arith.constant 0 : i32
    %dma_wait3A_197 = tpu.memref_slice %arg6[%dma_wait3A_186, %dma_wait3A_195, %dma_wait3A_196] : memref<8x200x64xf32, #tpu.memory_space<vmem>> -> memref<1x200x64xf32, #tpu.memory_space<vmem>>
    %dma_wait3A_198 = tpu.memref_squeeze %dma_wait3A_197 : memref<1x200x64xf32, #tpu.memory_space<vmem>> -> memref<200x64xf32, #tpu.memory_space<vmem>>
    tpu.wait_dma2 semaphore(%arg29 : memref<!tpu.dma_semaphore, #tpu.memory_space<semaphore_mem>>) src(%dma_wait3A_198 : memref<200x64xf32, #tpu.memory_space<vmem>>) dst(%dma_wait3A_194 : memref<200x64xf32, #tpu.memory_space<hbm>>)
    %add3A_199 = arith.constant 25400 : i32
    %add3A_200 = arith.addi %mul3A_2, %add3A_199 : i32
    %dma_wait3A_201 = arith.constant 7 : i32
    %dma_wait3A_202 = arith.constant 0 : i32
    %dma_wait3A_203 = arith.constant 0 : i32
    %dma_wait3A_204 = tpu.memref_slice %arg6[%dma_wait3A_201, %dma_wait3A_202, %dma_wait3A_203] : memref<8x200x64xf32, #tpu.memory_space<vmem>> -> memref<1x200x64xf32, #tpu.memory_space<vmem>>
    %dma_wait3A_205 = tpu.memref_squeeze %dma_wait3A_204 : memref<1x200x64xf32, #tpu.memory_space<vmem>> -> memref<200x64xf32, #tpu.memory_space<vmem>>
    %dma_wait3A_206 = arith.constant 0 : i32
    %dma_wait3A_207 = tpu.memref_slice %arg4[%add3A_200, %dma_wait3A_206] : memref<819200x64xf32, #tpu.memory_space<hbm>> -> memref<200x64xf32, #tpu.memory_space<hbm>>
    %dma_wait3A_208 = arith.constant 0 : i32
    %dma_wait3A_209 = tpu.memref_slice %arg4[%add3A_200, %dma_wait3A_208] : memref<819200x64xf32, #tpu.memory_space<hbm>> -> memref<200x64xf32, #tpu.memory_space<hbm>>
    %dma_wait3A_210 = arith.constant 0 : i32
    %dma_wait3A_211 = arith.constant 0 : i32
    %dma_wait3A_212 = tpu.memref_slice %arg6[%dma_wait3A_201, %dma_wait3A_210, %dma_wait3A_211] : memref<8x200x64xf32, #tpu.memory_space<vmem>> -> memref<1x200x64xf32, #tpu.memory_space<vmem>>
    %dma_wait3A_213 = tpu.memref_squeeze %dma_wait3A_212 : memref<1x200x64xf32, #tpu.memory_space<vmem>> -> memref<200x64xf32, #tpu.memory_space<vmem>>
    tpu.wait_dma2 semaphore(%arg30 : memref<!tpu.dma_semaphore, #tpu.memory_space<semaphore_mem>>) src(%dma_wait3A_213 : memref<200x64xf32, #tpu.memory_space<vmem>>) dst(%dma_wait3A_209 : memref<200x64xf32, #tpu.memory_space<hbm>>)
    return
  }
}

</mosaic_0001>

<sc_bundles>
// kernel: kernel.3.cloned.1.call-start
scs
__scs_entry_jumppad:
0x0: {  	(pc) =	sbr.rel $0x88, $3  }
0x1: {  	(tag) =	ssettag $0x0;
	lr =	simm.s32 $0x1  }
0x2: {  	[smem:$0x3F9F] =	sst lr;
	_ =	strace $0xD0000000  }
0x3: {  	_ = 	snop  }
0x4: {  	_ = 	snop  }
0x5: {  	_ = 	snop  }
0x6: {  	_ = 	snop  }
0x7: {  	_ = 	snop  }
__scs_overlays_trampoline_lowered:
0x8: {  	[smem:$0x3FAE] =	sst s0  }
0x9: {  	[smem:$0x3FAF] =	sst s1  }
0xa: {  	[smem:$0x3FB0] =	sst s2  }
0xb: {  	[smem:$0x3FB1] =	sst s3  }
0xc: {  	[smem:$0x3FB2] =	sst s4  }
0xd: {  	[smem:$0x3FB3] =	sst s5  }
0xe: {  	[smem:$0x3FB4] =	sst s6  }
0xf: {  	[smem:$0x3FB5] =	sst s7  }
0x10: {  	[smem:$0x3FB6] =	sst s8  }
0x11: {  	[smem:$0x3FB7] =	sst s9;
	s0 =	simm.s32 @!p0 $0x0  }
0x12: {  	s1 =	sld [smem:$0x3F9D];
	s0 =	simm.s32 @p0 $0x1  }
0x13: {  	[smem:$0x3FB8] =	sst s0;
	s0 =	simm.s32 @!p1 $0x0  }
0x14: {  	s2 =	sld [smem:$0x3F9C];
	s0 =	simm.s32 @p1 $0x1  }
0x15: {  	[smem:$0x3FB9] =	sst s0;
	s0 =	simm.s32 @!p2 $0x0  }
0x16: {  	s3 =	sld [smem:$0x3FDB];
	s0 =	simm.s32 @p2 $0x1  }
0x17: {  	s4 =	simm.s32 $0x1BF5;
	[smem:$0x3FBB] =	sst s0  }
0x18: {  	s0 =	sld [smem:$0x3F9E];
	_ =	swait.ge [sflag:s4], $0x0  }
0x19: {  	s7 =	sld [smem:$0x3F9F]  }
0x1a: {  	s8 =	sadd.s32 $0xFFFFE003, lr  }
0x1b: {  	s9 =	sadd.s32 $0xFFFFFEF7, lr;
	s5 =	simm.s32 $0xFFFFFFFF;
	p2 =	slt.u32 s8, $0xFFFFF086  }
0x1c: {  	p1 =	slt.u32 s9, $0xF7A;
	s5 =	simm.s32 @!p2 $0x0  }
0x1d: {  	s5 =	simm.s32 @p1 $0x1;
	p0 =	seq.s32 s7, s2  }
0x1e: {  	s7 =	smul.u32 @!p0 $0xF7A, s2;
	p2 =	seq.s32 @!p0 s5, $0x0  }
0x1f: {  	s9 =	smul.u32 $0xF7A, s1;
	s8 =	simm.s32 @!p0 $0x1BF5;
	p2 =	por !p2, p0  }
0x20: {  	[sflag:s8] =	ssyncset.s32 @!p0 $0xFFFFF086;
	s6 =	sadd.s32 @!p0 s3, s7;
	s7 =	simm.s32 @!p0 $0x108  }
0x21: {  	s3 =	sadd.s32 s3, s9;
	s6 =	sadd.s32 @!p0 $0x88, s6;
	s7 =	simm.s32 @p2 $0x1082  }
0x22: {  	[simem:s7], [sflag:s8] =	dma.local @!p0 [hbm:s6], $0xF7A  }
0x23: {  	s9 =	sor.u32 $0xD0000000, s2;
	s6 =	simm.s32 $0x108;
	_ =	swait.ge @!p0 [sflag:s8], $0x0  }
0x24: {  	s3 =	sadd.s32 $0x88, s3;
	s6 =	simm.s32 @!p1 $0x1082;
	[sflag:s4] =	ssyncset.s32 $0xFFFFF086  }
0x25: {  	[simem:s6], [sflag:s4] =	dma.local [hbm:s3], $0xF7A  }
0x26: {  	[smem:$0x3F9F] =	sst s1;
	(tag) =	ssettag s2;
	_ =	strace s9  }
0x27: {  	s1 =	sld [smem:$0x3FAF]  }
0x28: {  	s2 =	sld [smem:$0x3FB0]  }
0x29: {  	s4 =	sld [smem:$0x3FB2]  }
0x2a: {  	p0 =	seq.s32 s5, $0x0;
	s5 =	sld [smem:$0x3FB3]  }
0x2b: {  	s6 =	sld [smem:$0x3FB4]  }
0x2c: {  	s7 =	sld [smem:$0x3FB5]  }
0x2d: {  	s3 =	simm.s32 $0x108;
	s8 =	sld [smem:$0x3FB6]  }
0x2e: {  	s3 =	simm.s32 @!p0 $0x1082;
	s9 =	sld [smem:$0x3FB7]  }
0x2f: {  	lr =	sadd.s32 s0, s3;
	s0 =	sld [smem:$0x3FAE]  }
0x30: {  	s3 =	sld [smem:$0x3FB1]  }
0x31: {  	[smem:$0x3FBA] =	sst s10  }
0x32: {  	s10 =	sld [smem:$0x3FB8];
	_ =	sdelay $0x3  }
0x33: {  	p0 =	seq.s32 s10, $0x1;
	s10 =	sld [smem:$0x3FBA];
	_ =	sdelay $0x3  }
0x34: {  	[smem:$0x3FBA] =	sst s10  }
0x35: {  	s10 =	sld [smem:$0x3FB9];
	_ =	sdelay $0x3  }
0x36: {  	p1 =	seq.s32 s10, $0x1;
	s10 =	sld [smem:$0x3FBA];
	_ =	sdelay $0x3  }
0x37: {  	[smem:$0x3FBA] =	sst s10  }
0x38: {  	s10 =	sld [smem:$0x3FBB]  }
0x39: {  	_ = 	snop;
	(pc) =	sbr.ind lr, $3  }
0x3a: {  	_ = 	snop  }
0x3b: {  	_ = 	snop  }
0x3c: {  	p2 =	seq.s32 s10, $0x1;
	s10 =	sld [smem:$0x3FBA]  }
0x3d: {  	_ =	shalt  }
0x3e: {  	_ =	shalt  }
0x3f: {  	_ =	shalt  }
0x40: {  	_ =	shalt  }
0x41: {  	_ =	shalt  }
0x42: {  	_ =	shalt  }
0x43: {  	_ =	shalt  }
0x44: {  	_ =	shalt  }
0x45: {  	_ =	shalt  }
0x46: {  	_ =	shalt  }
0x47: {  	_ =	shalt  }
0x48: {  	_ =	shalt  }
0x49: {  	_ =	shalt  }
0x4a: {  	_ =	shalt  }
0x4b: {  	_ =	shalt  }
0x4c: {  	_ =	shalt  }
0x4d: {  	_ =	shalt  }
0x4e: {  	_ =	shalt  }
0x4f: {  	_ =	shalt  }
0x50: {  	_ =	shalt  }
0x51: {  	_ =	shalt  }
0x52: {  	_ =	shalt  }
0x53: {  	_ =	shalt  }
0x54: {  	_ =	shalt  }
0x55: {  	_ =	shalt  }
0x56: {  	_ =	shalt  }
0x57: {  	_ =	shalt  }
0x58: {  	_ =	shalt  }
0x59: {  	_ =	shalt  }
0x5a: {  	_ =	shalt  }
0x5b: {  	_ =	shalt  }
0x5c: {  	_ =	shalt  }
0x5d: {  	_ =	shalt  }
0x5e: {  	_ =	shalt  }
0x5f: {  	_ =	shalt  }
0x60: {  	_ =	shalt  }
0x61: {  	_ =	shalt  }
0x62: {  	_ =	shalt  }
0x63: {  	_ =	shalt  }
0x64: {  	_ =	shalt  }
0x65: {  	_ =	shalt  }
0x66: {  	_ =	shalt  }
0x67: {  	_ =	shalt  }
0x68: {  	_ =	shalt  }
0x69: {  	_ =	shalt  }
0x6a: {  	_ =	shalt  }
0x6b: {  	_ =	shalt  }
0x6c: {  	_ =	shalt  }
0x6d: {  	_ =	shalt  }
0x6e: {  	_ =	shalt  }
0x6f: {  	_ =	shalt  }
0x70: {  	_ =	shalt  }
0x71: {  	_ =	shalt  }
0x72: {  	_ =	shalt  }
0x73: {  	_ =	shalt  }
0x74: {  	_ =	shalt  }
0x75: {  	_ =	shalt  }
0x76: {  	_ =	shalt  }
0x77: {  	_ =	shalt  }
0x78: {  	_ =	shalt  }
0x79: {  	_ =	shalt  }
0x7a: {  	_ =	shalt  }
0x7b: {  	_ =	shalt  }
0x7c: {  	_ =	shalt  }
0x7d: {  	_ =	shalt  }
0x7e: {  	_ =	shalt  }
0x7f: {  	_ =	shalt  }
0x80: {  	_ =	shalt  }
0x81: {  	_ =	shalt  }
0x82: {  	_ =	shalt  }
0x83: {  	_ =	shalt  }
0x84: {  	_ =	shalt  }
0x85: {  	_ =	shalt  }
0x86: {  	_ =	shalt  }
0x87: {  	_ =	shalt  }
.Lfunc_end0:
.L_simem_size_0:
called_computation.1_lowered:
.L_overlay_start_0:
0x88: {  	s2 =	sld [smem:$0x3FD9]  }
0x89: {  	s3 =	sld [smem:$0x3FFE];
	_ =	sdelay $0x1  }
0x8a: {  	s1 =	srdreg.scid  }
0x8b: {  	s0 =	sand.u32 $0x1, s1  }
0x8c: {  	s17 =	sshll.u32 s0, $0xA;
	s2 =	sadd.s32 s3, s2  }
0x8d: {  	s2 =	sadd.s32 s2, s17  }
0x8e: {  	[smem:$0x3FC6] =	sst s2  }
0x8f: {  	_ = 	snop  }
0x90: {  	s2 =	sld [smem:$0x3FD0];
	(tm) =	ssettm $0x1  }
0x91: {  	s18 =	sld [smem:$0x3FFB];
	_ =	sdelay $0x3  }
0x92: {  	_ =	strace s18  }
0x93: {  	s3 =	sld [smem:$0x3FFC];
	_ =	sdelay $0x3  }
0x94: {  	_ =	strace s3  }
0x95: {  	s3 =	sld [smem:$0x3FFD];
	_ =	sdelay $0x3  }
0x96: {  	_ =	strace s3  }
0x97: {  	_ =	strace $0x8FFFFFFF  }
0x98: {  	s19 =	sld [smem:$0x3FDB];
	_ =	sdelay $0x1  }
0x99: {  	s4 =	simm.s32 $_scs_section_size  }
0x9a: {  	s5 =	simm.s32 $_size__tile_overlayer_lowered;
	s6 =	simm.s32 $_tile_overlayer_lowered  }
0x9b: {  	s22 =	simm.s32 $0x1BFF;
	s21 =	sshll.u32 s6, $0x1;
	s3 =	sadd.s32 s4, s19  }
0x9c: {  	s7 =	simm.s32 $0x0;
	s20 =	sshll.u32 s5, $0x1;
	s5 =	sadd.s32 s21, s3  }
0x9d: {  	[timem:s7], [sflag:s22] =	dma.local [hbm:s5], s20  }
0x9e: {  	_ =	swait.ge [sflag:s22], s20  }
0x9f: {  	s4 =	ssub.s32 $0x0, s20;
	[sflag:s22] =	ssyncset.done $0x0  }
0xa0: {  	[sflag:s22] =	ssyncadd.s32 s4;
	_ =	sdelay $0x1  }
0xa1: {  	s23 =	simm.s32 $0x1B8B  }
0xa2: {  	_ =	swait.ge [sflag:s23], $0x1  }
0xa3: {  	[sflag:s23] =	ssyncset.done $0x0  }
0xa4: {  	s25 =	simm.s32 $0x1B8E;
	s24 =	sld [smem:$0x3FFE];
	[sflag:s23] =	ssyncadd.s32 $0xFFFFFFFF  }
0xa5: {  	s26 =	simm.s32 $execute0_lowered;
	[smem:$0x3FD2] =	sst s25  }
0xa6: {  	s5 =	sshll.u32 s26, $0x1;
	_ =	strace $0x80000046;
	[dreg:$0x1] =	wrdreg $0xFFFFFFFF  }
0xa7: {  	s28 =	simm.s32 $_size_execute0_lowered;
	s3 =	sadd.s32 s3, s5;
	[dreg:$0x0] =	wrdreg $0x0  }
0xa8: {  	s5 =	sshll.u32 s28, $0x1;
	[dreg:$0x2] =	wrdreg s3  }
0xa9: {  	[dreg:$0x3] =	wrdreg s5  }
0xaa: {  	[dreg:$0x4] =	wrdreg $0xC0  }
0xab: {  	_ =	task [dreg:s7], $0x5FFFF  }
0xac: {  	[dreg:$0x1] =	wrdreg $0xFFFFFFFF  }
0xad: {  	[dreg:$0x0] =	wrdreg $0x60  }
0xae: {  	[dreg:$0x2] =	wrdreg s24  }
0xaf: {  	[dreg:$0x3] =	wrdreg s2  }
0xb0: {  	[dreg:$0x4] =	wrdreg $0x9  }
0xb1: {  	_ =	task.clear_ibuf [dreg:s7], $0x5FFFF;
	_ =	strace $0x90000046  }
0xb2: {  	s29 =	simm.s32 $0x9;
	_ =	strace $0x80000048  }
0xb3: {  	_ =	swait.ge [sflag:s29], $0x1  }
0xb4: {  	[sflag:s29] =	ssyncadd.s32 $0xFFFFFFFF  }
0xb5: {  	_ =	strace $0x90000048  }
0xb6: {  	_ =	sfence  }
0xb7: {  	s30 =	sld [smem:$0x0];
	_ =	sdelay $0x2  }
0xb8: {  	s31 =	sshll.u32 s1, $0xD;
	s1 =	sshrl.u32 s1, $0x2  }
0xb9: {  	s3 =	sand.u32 $0x4000, s31;
	s1 =	sadd.s32 s1, s30  }
0xba: {  	s0 =	sor.u32 s3, s0;
	s1 =	sshll.u32 s1, $0x11  }
0xbb: {  	s0 =	sor.u32 s1, s0  }
0xbc: {  	s0 =	sadd.s32 $0x8F2B, s0  }
0xbd: {  	[sflag:s0] =	ssyncadd.remote.s32 $0x1  }
0xbe: {  	_ =	sfence.sel $0xFFFF  }
0xbf: {  	[dreg:$0x0] =	wrdreg $0xFFFFFFFF;
	(pc) =	sbr.abs _section_cstart, $3  }
0xc0: {  	[dreg:$0x1] =	wrdreg $0xFFFFFFFF  }
0xc1: {  	_ =	task.clear_ibuf [dreg:s7], $0x2FFFF;
	_ =	strace $0x9FFFFFFF  }
0xc2: {  	(tm) =	ssettm $0x7FFFFFFF  }
0xc3: {  	_ =	shalt  }
tec
execute0_lowered:
.L_overlay_start_1:
0x0: {  	(tag) =	ssettag $0x1  }
0x1: {  	s0 =	rddreg [dreg:$0x0]  }
0x2: {  	s2 =	rddreg [dreg:$0x1]  }
0x3: {  	s1 =	srdreg.scid;
	s10 =	stileid.u32;
	s3 =	simm.s32 $0x0  }
0x4: {  	s29 =	simm.s32 $0x1;
	s31 =	simm.s32 $0x2;
	s30 =	simm.s32 $0x4B0  }
0x5: {  	s28 =	simm.s32 $0x578;
	s1 =	sand.u32 $0x1, s1;
	s4 =	sshll.u32 s10, $0x1  }
0x6: {  	[smem:$0x7FF] =	sst s3;
	s11 =	sadd.s32 $0xA00, s0;
	s6 =	smul.u32 $0xC800, s10  }
0x7: {  	s4 =	sor.u32 s1, s4;
	s20 =	ssub.s32 $0x2, s1;
	s9 =	smul.u32 $0x6400, s1  }
0x8: {  	s5 =	sadd.s32 $0xF42E00, s0;
	s4 =	smul.u32 $0x6400, s4;
	s7 =	sshrl.u32 s20, $0x1  }
0x9: {  	_ =	strace $0x80000047;
	[dreg:$0x3] =	wrdreg s11;
	s0 =	ssub.s32 s20, s7  }
0xa: {  	s6 =	sadd.s32 s9, s6;
	s8 =	sshrl.u32 s4, $0x3;
	s0 =	smax.u32 s0, $0x1  }
0xb: {  	s22 =	sadd.s32 $0xBB8, s6;
	s13 =	sadd.s32 $0x640, s6;
	[dreg:$0x7] =	wrdreg s0  }
0xc: {  	s24 =	sadd.s32 $0xA28, s6;
	s0 =	sshrl.u32 s22, $0x3;
	[dreg:$0xf] =	wrdreg s13  }
0xd: {  	s7 =	sadd.s32 $0x7D0, s6;
	s25 =	sshrl.u32 s24, $0x3;
	[dreg:$0x8] =	wrdreg s0  }
0xe: {  	s4 =	sadd.s32 $0x578, s4;
	s9 =	sshrl.u32 s7, $0x3;
	[dreg:$0xa] =	wrdreg s25  }
0xf: {  	s23 =	sadd.s32 $0xAF0, s6;
	s8 =	sadd.s32 s11, s8;
	[dreg:$0xd] =	wrdreg s9  }
0x10: {  	s4 =	sshrl.u32 s4, $0x3;
	s21 =	sadd.s32 $0x19, s8;
	[dreg:$0x4] =	wrdreg s8  }
0x11: {  	s12 =	sshll.u32 s6, $0x3;
	s4 =	sadd.s32 s11, s4;
	[dreg:$0x5] =	wrdreg s21  }
0x12: {  	s14 =	sadd.s32 s12, s2;
	s0 =	sshrl.u32 s23, $0x3;
	[dreg:$0x6] =	wrdreg s4  }
0x13: {  	s10 =	smul.u32 $0x64000, s10;
	s15 =	sadd.s32 $0x2BC0, s14;
	[dreg:$0x9] =	wrdreg s0  }
0x14: {  	s1 =	smul.u32 $0x32000, s1;
	s16 =	sadd.s32 $0x2580, s14;
	[dreg:$0x10] =	wrdreg s15  }
0x15: {  	s26 =	sadd.s32 $0x960, s6;
	s17 =	sadd.s32 $0x1F40, s14;
	[dreg:$0x11] =	wrdreg s16  }
0x16: {  	s7 =	simm.s32 $0x3;
	s18 =	sadd.s32 $0x1900, s14;
	[dreg:$0x12] =	wrdreg s17  }
0x17: {  	s12 =	simm.s32 $0x8;
	s19 =	sadd.s32 $0x12C0, s14;
	[dreg:$0x13] =	wrdreg s18  }
0x18: {  	s13 =	simm.s32 $0x16440;
	s20 =	sadd.s32 $0xC80, s14;
	[dreg:$0x14] =	wrdreg s19  }
0x19: {  	s11 =	sadd.s32 $0x708, s6;
	s22 =	sadd.s32 $0x32, s8;
	[dreg:$0x15] =	wrdreg s20  }
0x1a: {  	s23 =	sadd.s32 $0x4B, s8;
	s24 =	sadd.s32 $0x64, s8;
	[dreg:$0x17] =	wrdreg s22  }
0x1b: {  	s25 =	sadd.s32 $0x7D, s8;
	s9 =	simm.s32 $0xCE40;
	[dreg:$0x18] =	wrdreg s23  }
0x1c: {  	s0 =	sshrl.u32 s26, $0x3;
	s4 =	sadd.s32 $0x898, s6;
	[dreg:$0x19] =	wrdreg s24  }
0x1d: {  	s21 =	sadd.s32 $0x640, s14;
	[dreg:$0x1a] =	wrdreg s25;
	s26 =	sadd.s32 $0x96, s8  }
0x1e: {  	s25 =	simm.s32 $0x4B0;
	s6 =	simm.s32 $0x6A40;
	s8 =	simm.s32 $0x4  }
0x1f: {  	s17 =	simm.s32 $0x5;
	s14 =	simm.s32 $0x9;
	s19 =	simm.s32 $0xB  }
0x20: {  	s15 =	simm.s32 $0xD;
	s16 =	simm.s32 $0xF;
	[dreg:$0xb] =	wrdreg s0  }
0x21: {  	s20 =	simm.s32 $0x10;
	s0 =	sshrl.u32 s4, $0x3;
	[dreg:$0x16] =	wrdreg s21  }
.Ltmp0:
0x22: {  	s4 =	sshrl.u32 s11, $0x3;
	[dreg:$0x1b] =	wrdreg s26;
	(pc) =	sbr.rel .LBB2_1-.Ltmp0, $4  }
0x23: {  	s26 =	simm.s32 $0x578;
	s11 =	simm.s32 $0x7;
	[dreg:$0xc] =	wrdreg s0  }
0x24: {  	s21 =	simm.s32 $0x0;
	[dreg:$0xe] =	wrdreg s4;
	s0 =	sadd.s32 s1, s10  }
0x25: {  	s1 =	simm.s32 $0xC8;
	[dreg:$0x1d] =	wrdreg s0;
	s0 =	sadd.s32 s2, s0  }
0x26: {  	s10 =	simm.s32 $0x6;
	s4 =	simm.s32 $0x13240;
	[dreg:$0x1c] =	wrdreg s0  }
.LBB2_4:
0x27: {  	s0 =	rddreg [dreg:$0x1d]  }
0x28: {  	s0 =	sadd.s32 s21, s0  }
0x29: {  	_ =	swait.ge [sflag:s20], $0x3200;
	s0 =	sadd.s32 $0x2BC0, s0  }
0x2a: {  	[sflag:s20] =	ssyncset.done $0x0;
	s0 =	sand.u32 $0x1FFFF9C0, s0  }
0x2b: {  	s25 =	simm.s32 $0x11;
	[sflag:s20] =	ssyncadd.s32 $0xFFFFCE00;
	s0 =	sadd.s32 s2, s0  }
0x2c: {  	[hbm4b:s0+s3] =	stream.linear.scatter [tilespmem:s13], [sflag:$0x18], $0x3200, $0x38;
	[tilespmem:$0x19640] =	vst v63  }
0x2d: {  	_ =	swait.ge [sflag:s25], $0x3200  }
0x2e: {  	[sflag:s25] =	ssyncset.done $0x0  }
0x2f: {  	s26 =	simm.s32 $0x12;
	[sflag:s25] =	ssyncadd.s32 $0xFFFFCE00  }
0x30: {  	_ =	swait.ge [sflag:s26], $0x3200  }
0x31: {  	[sflag:s26] =	ssyncset.done $0x0  }
0x32: {  	s18 =	simm.s32 $0x13;
	[sflag:s26] =	ssyncadd.s32 $0xFFFFCE00  }
0x33: {  	_ =	swait.ge [sflag:s18], $0x3200  }
0x34: {  	[sflag:s18] =	ssyncset.done $0x0  }
0x35: {  	s21 =	simm.s32 $0x14;
	[sflag:s18] =	ssyncadd.s32 $0xFFFFCE00  }
0x36: {  	_ =	swait.ge [sflag:s21], $0x3200  }
0x37: {  	[sflag:s21] =	ssyncset.done $0x0  }
0x38: {  	s22 =	simm.s32 $0x15;
	[sflag:s21] =	ssyncadd.s32 $0xFFFFCE00  }
0x39: {  	_ =	swait.ge [sflag:s22], $0x3200  }
0x3a: {  	[sflag:s22] =	ssyncset.done $0x0  }
0x3b: {  	s23 =	simm.s32 $0x16;
	[sflag:s22] =	ssyncadd.s32 $0xFFFFCE00  }
0x3c: {  	_ =	swait.ge [sflag:s23], $0x3200  }
0x3d: {  	[sflag:s23] =	ssyncset.done $0x0  }
0x3e: {  	s24 =	simm.s32 $0x17;
	[sflag:s23] =	ssyncadd.s32 $0xFFFFCE00  }
0x3f: {  	_ =	swait.ge [sflag:s24], $0x3200  }
0x40: {  	[sflag:s24] =	ssyncset.done $0x0  }
0x41: {  	s18 =	simm.s32 $0x18;
	[sflag:s24] =	ssyncadd.s32 $0xFFFFCE00  }
0x42: {  	_ =	swait.ge [sflag:s18], $0x3200  }
0x43: {  	s25 =	rddreg [dreg:$0x1e]  }
0x44: {  	s26 =	rddreg [dreg:$0x7];
	s21 =	sadd.s32 $0x1, s25  }
0x45: {  	p0 =	sne.s32 s21, s26  }
.Ltmp1:
0x46: {  	_ = 	snop;
	(pc) =	sbr.rel @!p0 .LBB2_5-.Ltmp1, $3  }
0x47: {  	_ =	sdelay $0x1  }
0x48: {  	[sflag:s18] =	ssyncset.done $0x0  }
0x49: {  	[sflag:s18] =	ssyncadd.s32 $0xFFFFCE00;
	s25 =	simm.s32 $0x4B0;
	s26 =	simm.s32 $0x578  }
.LBB2_1:
0x4a: {  	[dreg:$0x1e] =	wrdreg s21  }
0x4b: {  	s0 =	rddreg [dreg:$0x4]  }
0x4c: {  	s23 =	rddreg [dreg:$0x5]  }
0x4d: {  	[tilespmem:s3], [sflag:$0x1] =	stream.linear.gather [hbm4b:s0+s3], $0xC8, $0x38;
	[tilespmem:$0x19640] =	vst v63  }
0x4e: {  	s24 =	rddreg [dreg:$0x17]  }
0x4f: {  	[tilespmem:s1], [sflag:$0x2] =	stream.linear.gather [hbm4b:s23+s3], $0xC8, $0x38;
	[tilespmem:$0x19640] =	vst v63  }
0x50: {  	s18 =	simm.s32 $0x190;
	s21 =	rddreg [dreg:$0x18]  }
0x51: {  	[tilespmem:s18], [sflag:$0x3] =	stream.linear.gather [hbm4b:s24+s3], $0xC8, $0x38;
	[tilespmem:$0x19640] =	vst v63  }
0x52: {  	s22 =	simm.s32 $0x258;
	s23 =	rddreg [dreg:$0x19]  }
0x53: {  	[tilespmem:s22], [sflag:$0x4] =	stream.linear.gather [hbm4b:s21+s3], $0xC8, $0x38;
	[tilespmem:$0x19640] =	vst v63  }
0x54: {  	s24 =	simm.s32 $0x320;
	s21 =	rddreg [dreg:$0x1a]  }
0x55: {  	[tilespmem:s24], [sflag:$0x5] =	stream.linear.gather [hbm4b:s23+s3], $0xC8, $0x38;
	[tilespmem:$0x19640] =	vst v63  }
0x56: {  	s23 =	rddreg [dreg:$0x1b]  }
0x57: {  	s22 =	simm.s32 $0x3E8;
	s24 =	rddreg [dreg:$0x6]  }
0x58: {  	[tilespmem:s22], [sflag:$0x6] =	stream.linear.gather [hbm4b:s21+s3], $0xC8, $0x38;
	[tilespmem:$0x19640] =	vst v63  }
0x59: {  	s22 =	rddreg [dreg:$0xf]  }
0x5a: {  	[tilespmem:s25], [sflag:$0x7] =	stream.linear.gather [hbm4b:s23+s3], $0xC8, $0x38;
	[tilespmem:$0x19640] =	vst v63  }
0x5b: {  	s21 =	simm.s32 $0x0;
	s23 =	rddreg [dreg:$0x3]  }
0x5c: {  	[tilespmem:s26], [sflag:$0x8] =	stream.linear.gather [hbm4b:s24+s3], $0xC8, $0x38;
	[tilespmem:$0x19640] =	vst v63  }
.LBB2_2:
0x5d: {  	p0 =	seq.s32 s21, $0x0  }
0x5e: {  	s24 =	simm.s32 @!p0 $0x11  }
0x5f: {  	_ =	swait.ge @!p0 [sflag:s24], $0x3200  }
0x60: {  	[sflag:s24] =	ssyncset.done @!p0 $0x0  }
0x61: {  	[sflag:s24] =	ssyncadd.s32 @!p0 $0xFFFFCE00  }
0x62: {  	_ =	swait.ge [sflag:s29], $0xC8  }
0x63: {  	[sflag:s29] =	ssyncset.done $0x0  }
0x64: {  	s18 =	simm.s32 $0x640;
	s24 =	simm.s32 @!p0 $0x12;
	[sflag:s29] =	ssyncadd.s32 $0xFFFFFF38  }
0x65: {  	[tilespmem:s18], [sflag:$0x9] =	stream.indirect.gather [hbm4b:s5+s1], $0x40, s3, s1, $0xb8;
	[tilespmem:$0x19640] =	vst v63  }
0x66: {  	_ =	swait.ge @!p0 [sflag:s24], $0x3200  }
0x67: {  	[sflag:s24] =	ssyncset.done @!p0 $0x0  }
0x68: {  	[sflag:s24] =	ssyncadd.s32 @!p0 $0xFFFFCE00  }
0x69: {  	_ =	swait.ge [sflag:s31], $0xC8  }
0x6a: {  	[sflag:s31] =	ssyncset.done $0x0  }
0x6b: {  	s0 =	simm.s32 $0x3840;
	s24 =	simm.s32 @!p0 $0x13;
	[sflag:s31] =	ssyncadd.s32 $0xFFFFFF38  }
0x6c: {  	[tilespmem:s0], [sflag:$0xA] =	stream.indirect.gather [hbm4b:s5+s1], $0x40, s1, s1, $0xb8;
	[tilespmem:$0x19640] =	vst v63  }
0x6d: {  	_ =	swait.ge @!p0 [sflag:s24], $0x3200  }
0x6e: {  	[sflag:s24] =	ssyncset.done @!p0 $0x0  }
0x6f: {  	[sflag:s24] =	ssyncadd.s32 @!p0 $0xFFFFCE00  }
0x70: {  	_ =	swait.ge [sflag:s7], $0xC8  }
0x71: {  	[sflag:s7] =	ssyncset.done $0x0  }
0x72: {  	s24 =	simm.s32 $0x190;
	[sflag:s7] =	ssyncadd.s32 $0xFFFFFF38  }
0x73: {  	[tilespmem:s6], [sflag:$0xB] =	stream.indirect.gather [hbm4b:s5+s1], $0x40, s24, s1, $0xb8;
	[tilespmem:$0x19640] =	vst v63  }
0x74: {  	s24 =	simm.s32 @!p0 $0x14  }
0x75: {  	_ =	swait.ge @!p0 [sflag:s24], $0x3200  }
0x76: {  	[sflag:s24] =	ssyncset.done @!p0 $0x0  }
0x77: {  	[sflag:s24] =	ssyncadd.s32 @!p0 $0xFFFFCE00  }
0x78: {  	_ =	swait.ge [sflag:s8], $0xC8  }
0x79: {  	[sflag:s8] =	ssyncset.done $0x0  }
0x7a: {  	s0 =	simm.s32 $0x258;
	s24 =	simm.s32 $0x9C40;
	[sflag:s8] =	ssyncadd.s32 $0xFFFFFF38  }
0x7b: {  	[tilespmem:s24], [sflag:$0xC] =	stream.indirect.gather [hbm4b:s5+s1], $0x40, s0, s1, $0xb8;
	[tilespmem:$0x19640] =	vst v63  }
0x7c: {  	s24 =	simm.s32 @!p0 $0x15  }
0x7d: {  	_ =	swait.ge @!p0 [sflag:s24], $0x3200  }
0x7e: {  	[sflag:s24] =	ssyncset.done @!p0 $0x0  }
0x7f: {  	[sflag:s24] =	ssyncadd.s32 @!p0 $0xFFFFCE00  }
0x80: {  	_ =	swait.ge [sflag:s17], $0xC8  }
0x81: {  	[sflag:s17] =	ssyncset.done $0x0  }
0x82: {  	s24 =	simm.s32 $0x320;
	[sflag:s17] =	ssyncadd.s32 $0xFFFFFF38  }
0x83: {  	[tilespmem:s9], [sflag:$0xD] =	stream.indirect.gather [hbm4b:s5+s1], $0x40, s24, s1, $0xb8;
	[tilespmem:$0x19640] =	vst v63  }
0x84: {  	s24 =	simm.s32 @!p0 $0x16  }
0x85: {  	_ =	swait.ge @!p0 [sflag:s24], $0x3200  }
0x86: {  	[sflag:s24] =	ssyncset.done @!p0 $0x0  }
0x87: {  	[sflag:s24] =	ssyncadd.s32 @!p0 $0xFFFFCE00  }
0x88: {  	_ =	swait.ge [sflag:s10], $0xC8  }
0x89: {  	[sflag:s10] =	ssyncset.done $0x0  }
0x8a: {  	s0 =	simm.s32 $0x3E8;
	s24 =	simm.s32 $0x10040;
	[sflag:s10] =	ssyncadd.s32 $0xFFFFFF38  }
0x8b: {  	[tilespmem:s24], [sflag:$0xE] =	stream.indirect.gather [hbm4b:s5+s1], $0x40, s0, s1, $0xb8;
	[tilespmem:$0x19640] =	vst v63  }
0x8c: {  	s24 =	simm.s32 @!p0 $0x17  }
0x8d: {  	_ =	swait.ge @!p0 [sflag:s24], $0x3200  }
0x8e: {  	[sflag:s24] =	ssyncset.done @!p0 $0x0  }
0x8f: {  	[sflag:s24] =	ssyncadd.s32 @!p0 $0xFFFFCE00  }
0x90: {  	_ =	swait.ge [sflag:s11], $0xC8  }
0x91: {  	[sflag:s11] =	ssyncset.done $0x0  }
0x92: {  	s24 =	simm.s32 @!p0 $0x18;
	[sflag:s11] =	ssyncadd.s32 $0xFFFFFF38  }
0x93: {  	[tilespmem:s4], [sflag:$0xF] =	stream.indirect.gather [hbm4b:s5+s1], $0x40, s25, s1, $0xb8;
	[tilespmem:$0x19640] =	vst v63  }
0x94: {  	_ =	swait.ge @!p0 [sflag:s24], $0x3200  }
0x95: {  	[sflag:s24] =	ssyncset.done @!p0 $0x0  }
0x96: {  	[sflag:s24] =	ssyncadd.s32 @!p0 $0xFFFFCE00  }
0x97: {  	_ =	swait.ge [sflag:s12], $0xC8  }
0x98: {  	[sflag:s12] =	ssyncset.done $0x0  }
0x99: {  	[sflag:s12] =	ssyncadd.s32 $0xFFFFFF38  }
0x9a: {  	[tilespmem:s13], [sflag:$0x10] =	stream.indirect.gather [hbm4b:s5+s1], $0x40, s26, s1, $0xb8;
	[tilespmem:$0x19640] =	vst v63  }
0x9b: {  	_ =	swait.ge [sflag:s14], $0x3200  }
0x9c: {  	p0 =	seq.s32 s21, $0x2EE00;
	[sflag:s14] =	ssyncset.done $0x0;
	s24 =	rddreg [dreg:$0x1c]  }
0x9d: {  	[sflag:s14] =	ssyncadd.s32 $0xFFFFCE00;
	s25 =	sadd.s32 s21, s24;
	s24 =	simm.s32 @p0 $0xA  }
0x9e: {  	[hbm4b:s25+s3] =	stream.linear.scatter [tilespmem:s18], [sflag:$0x11], $0x3200, $0x38;
	[tilespmem:$0x19640] =	vst v63  }
0x9f: {  	_ =	swait.ge @p0 [sflag:s24], $0x3200  }
0xa0: {  	s0 =	rddreg [dreg:$0x1d]  }
0xa1: {  	s25 =	sadd.s32 @p0 s21, s0  }
0xa2: {  	[sflag:s24] =	ssyncset.done @p0 $0x0;
	s18 =	sadd.s32 @p0 $0x640, s25  }
0xa3: {  	[sflag:s24] =	ssyncadd.s32 @p0 $0xFFFFCE00;
	s18 =	sand.u32 @p0 $0x1FFFF440, s18  }
0xa4: {  	s0 =	simm.s32 @p0 $0x0;
	s24 =	simm.s32 @p0 $0x3840;
	s18 =	sadd.s32 @p0 s2, s18  }
0xa5: {  	[hbm4b:s18+s0] =	stream.linear.scatter @p0 [tilespmem:s24], [sflag:$0x12], $0x3200, $0x38;
	[tilespmem:$0x19640] =	vst v63  }
0xa6: {  	s18 =	sshrl.u32 @!p0 s22, $0x3;
	s24 =	rddreg [dreg:$0x3]  }
0xa7: {  	s18 =	sadd.s32 @!p0 s24, s18;
	s24 =	simm.s32 @!p0 $0x0  }
0xa8: {  	[tilespmem:s24], [sflag:$0x1] =	stream.linear.gather @!p0 [hbm4b:s18+s24], $0xC8, $0x38;
	[tilespmem:$0x19640] =	vst v63  }
0xa9: {  	s18 =	simm.s32 @!p0 $0xA  }
0xaa: {  	_ =	swait.ge @!p0 [sflag:s18], $0x3200  }
0xab: {  	[sflag:s18] =	ssyncset.done @!p0 $0x0  }
0xac: {  	[sflag:s18] =	ssyncadd.s32 @!p0 $0xFFFFCE00;
	s18 =	rddreg [dreg:$0x16]  }
0xad: {  	s26 =	simm.s32 @!p0 $0x3840;
	s18 =	sadd.s32 @!p0 s21, s18  }
0xae: {  	[hbm4b:s18+s24] =	stream.linear.scatter @!p0 [tilespmem:s26], [sflag:$0x12], $0x3200, $0x38;
	[tilespmem:$0x19640] =	vst v63  }
0xaf: {  	s18 =	rddreg [dreg:$0xe]  }
0xb0: {  	s26 =	simm.s32 @!p0 $0xC8;
	s18 =	sadd.s32 @!p0 s23, s18  }
0xb1: {  	[tilespmem:s26], [sflag:$0x2] =	stream.linear.gather @!p0 [hbm4b:s18+s24], $0xC8, $0x38;
	[tilespmem:$0x19640] =	vst v63  }
0xb2: {  	_ =	swait.ge [sflag:s19], $0x3200  }
0xb3: {  	[sflag:s19] =	ssyncset.done $0x0;
	s26 =	rddreg [dreg:$0x15]  }
0xb4: {  	[sflag:s19] =	ssyncadd.s32 $0xFFFFCE00;
	s18 =	sadd.s32 s21, s26  }
0xb5: {  	[hbm4b:s18+s3] =	stream.linear.scatter [tilespmem:s6], [sflag:$0x13], $0x3200, $0x38;
	[tilespmem:$0x19640] =	vst v63  }
0xb6: {  	s18 =	simm.s32 @p0 $0xC  }
0xb7: {  	s26 =	sadd.s32 @p0 $0x12C0, s25;
	_ =	swait.ge @p0 [sflag:s18], $0x3200  }
0xb8: {  	s26 =	sand.u32 @p0 $0x1FFFE0C0, s26;
	[sflag:s18] =	ssyncset.done @p0 $0x0  }
0xb9: {  	[sflag:s18] =	ssyncadd.s32 @p0 $0xFFFFCE00;
	s18 =	sadd.s32 @p0 s2, s26;
	s26 =	simm.s32 @p0 $0x9C40  }
0xba: {  	[hbm4b:s18+s0] =	stream.linear.scatter @p0 [tilespmem:s26], [sflag:$0x14], $0x3200, $0x38;
	[tilespmem:$0x19640] =	vst v63  }
0xbb: {  	s18 =	rddreg [dreg:$0xd]  }
0xbc: {  	s26 =	simm.s32 @!p0 $0x190;
	s18 =	sadd.s32 @!p0 s23, s18  }
0xbd: {  	[tilespmem:s26], [sflag:$0x3] =	stream.linear.gather @!p0 [hbm4b:s18+s24], $0xC8, $0x38;
	[tilespmem:$0x19640] =	vst v63  }
0xbe: {  	s18 =	simm.s32 @!p0 $0xC  }
0xbf: {  	_ =	swait.ge @!p0 [sflag:s18], $0x3200  }
0xc0: {  	[sflag:s18] =	ssyncset.done @!p0 $0x0  }
0xc1: {  	[sflag:s18] =	ssyncadd.s32 @!p0 $0xFFFFCE00;
	s18 =	rddreg [dreg:$0x14]  }
0xc2: {  	s26 =	simm.s32 @!p0 $0x9C40;
	s18 =	sadd.s32 @!p0 s21, s18  }
0xc3: {  	[hbm4b:s18+s24] =	stream.linear.scatter @!p0 [tilespmem:s26], [sflag:$0x14], $0x3200, $0x38;
	[tilespmem:$0x19640] =	vst v63  }
0xc4: {  	s18 =	rddreg [dreg:$0xc]  }
0xc5: {  	s26 =	simm.s32 @!p0 $0x258;
	s18 =	sadd.s32 @!p0 s23, s18  }
0xc6: {  	[tilespmem:s26], [sflag:$0x4] =	stream.linear.gather @!p0 [hbm4b:s18+s24], $0xC8, $0x38;
	[tilespmem:$0x19640] =	vst v63  }
0xc7: {  	_ =	swait.ge [sflag:s15], $0x3200  }
0xc8: {  	[sflag:s15] =	ssyncset.done $0x0;
	s26 =	rddreg [dreg:$0x13]  }
0xc9: {  	[sflag:s15] =	ssyncadd.s32 $0xFFFFCE00;
	s18 =	sadd.s32 s21, s26  }
0xca: {  	[hbm4b:s18+s3] =	stream.linear.scatter [tilespmem:s9], [sflag:$0x15], $0x3200, $0x38;
	[tilespmem:$0x19640] =	vst v63  }
0xcb: {  	s18 =	simm.s32 @p0 $0xE  }
0xcc: {  	s25 =	sadd.s32 @p0 $0x1F40, s25;
	_ =	swait.ge @p0 [sflag:s18], $0x3200  }
0xcd: {  	s25 =	sand.u32 @p0 $0x1FFFED40, s25;
	[sflag:s18] =	ssyncset.done @p0 $0x0  }
0xce: {  	[sflag:s18] =	ssyncadd.s32 @p0 $0xFFFFCE00;
	s18 =	sadd.s32 @p0 s2, s25;
	s25 =	simm.s32 @p0 $0x10040  }
0xcf: {  	[hbm4b:s18+s0] =	stream.linear.scatter @p0 [tilespmem:s25], [sflag:$0x16], $0x3200, $0x38;
	[tilespmem:$0x19640] =	vst v63  }
0xd0: {  	s0 =	rddreg [dreg:$0xb]  }
0xd1: {  	s18 =	simm.s32 @!p0 $0x320;
	s0 =	sadd.s32 @!p0 s23, s0  }
0xd2: {  	[tilespmem:s18], [sflag:$0x5] =	stream.linear.gather @!p0 [hbm4b:s0+s24], $0xC8, $0x38;
	[tilespmem:$0x19640] =	vst v63  }
0xd3: {  	s0 =	simm.s32 @!p0 $0xE  }
0xd4: {  	_ =	swait.ge @!p0 [sflag:s0], $0x3200  }
0xd5: {  	[sflag:s0] =	ssyncset.done @!p0 $0x0  }
0xd6: {  	[sflag:s0] =	ssyncadd.s32 @!p0 $0xFFFFCE00;
	s0 =	rddreg [dreg:$0x12]  }
0xd7: {  	s18 =	simm.s32 @!p0 $0x10040;
	s0 =	sadd.s32 @!p0 s21, s0  }
0xd8: {  	[hbm4b:s0+s24] =	stream.linear.scatter @!p0 [tilespmem:s18], [sflag:$0x16], $0x3200, $0x38;
	[tilespmem:$0x19640] =	vst v63  }
0xd9: {  	s0 =	rddreg [dreg:$0xa]  }
0xda: {  	s18 =	simm.s32 @!p0 $0x3E8;
	s0 =	sadd.s32 @!p0 s23, s0  }
0xdb: {  	[tilespmem:s18], [sflag:$0x6] =	stream.linear.gather @!p0 [hbm4b:s0+s24], $0xC8, $0x38;
	[tilespmem:$0x19640] =	vst v63  }
.Ltmp2:
0xdc: {  	_ = 	snop;
	(pc) =	sbr.rel @p0 .LBB2_4-.Ltmp2, $4  }
0xdd: {  	_ =	swait.ge [sflag:s16], $0x3200  }
0xde: {  	[sflag:s16] =	ssyncset.done $0x0;
	s26 =	rddreg [dreg:$0x11]  }
0xdf: {  	[sflag:s16] =	ssyncadd.s32 $0xFFFFCE00;
	s0 =	sadd.s32 s21, s26  }
0xe0: {  	[hbm4b:s0+s3] =	stream.linear.scatter [tilespmem:s4], [sflag:$0x17], $0x3200, $0x38;
	[tilespmem:$0x19640] =	vst v63  }
0xe1: {  	s0 =	rddreg [dreg:$0x9]  }
0xe2: {  	s0 =	sadd.s32 s23, s0  }
0xe3: {  	[tilespmem:s30], [sflag:$0x7] =	stream.linear.gather [hbm4b:s0+s3], $0xC8, $0x38;
	[tilespmem:$0x19640] =	vst v63  }
0xe4: {  	_ =	swait.ge [sflag:s20], $0x3200  }
0xe5: {  	s22 =	sadd.s32 $0x640, s22;
	[sflag:s20] =	ssyncset.done $0x0;
	s25 =	rddreg [dreg:$0x10]  }
.Ltmp3:
0xe6: {  	s26 =	rddreg [dreg:$0x8];
	[sflag:s20] =	ssyncadd.s32 $0xFFFFCE00;
	(pc) =	sbr.rel .LBB2_2-.Ltmp3, $4  }
0xe7: {  	s0 =	sadd.s32 s21, s25;
	s21 =	sadd.s32 $0x3200, s21;
	s25 =	simm.s32 $0x4B0  }
0xe8: {  	[hbm4b:s0+s3] =	stream.linear.scatter [tilespmem:s13], [sflag:$0x18], $0x3200, $0x38;
	[tilespmem:$0x19640] =	vst v63  }
0xe9: {  	s0 =	sadd.s32 s23, s26;
	s23 =	sadd.s32 $0xC8, s23;
	s26 =	simm.s32 $0x578  }
0xea: {  	[tilespmem:s28], [sflag:$0x8] =	stream.linear.gather [hbm4b:s0+s3], $0xC8, $0x38;
	[tilespmem:$0x19640] =	vst v63  }
.LBB2_5:
0xeb: {  	_ =	sfence.sel $0x180000  }
0xec: {  	[bflag:$0x0] =	sbarrier.arrive $0xFFFF  }
0xed: {  	_ =	strace $0x90000047  }
0xee: {  	s0 =	stileid.u32;
	[bflag:$0x2] =	sbarrier.arrive $0xFFFF  }
0xef: {  	p0 =	sne.s32 s0, $0x0;
	s0 =	rddreg [dreg:$0x2]  }
0xf0: {  	s0 =	sadd.s32 @!p0 $0x100000, s0  }
0xf1: {  	[sflag:s0] =	ssyncadd.tile.s32 @!p0 $0x1;
	_ =	shalt  }
.Lfunc_end2:
_tile_overlayer_lowered:
.L_overlay_start_2:
0xf2: {  	(tag) =	ssettag $0x2  }
0xf3: {  	s0 =	rddreg [dreg:$0x0];
	s2 =	stileid.u32  }
0xf4: {  	s1 =	rddreg [dreg:$0x1];
	p0 =	sne.s32 s2, $0x0  }
0xf5: {  	s3 =	rddreg [dreg:$0x2];
	[bflag:$0x3] =	sbarrier.arrive $0xFFFF;
	s2 =	simm.s32 @!p0 $0x1C19  }
0xf6: {  	[timem:s3], [sflag:s2] =	dma.local @!p0 [hbm:s0], s1  }
0xf7: {  	s0 =	simm.s32 @!p0 $0x19  }
0xf8: {  	_ =	swait.ge @!p0 [sflag:s0], s1  }
0xf9: {  	s1 =	ssub.s32 @!p0 $0x0, s1;
	[sflag:s0] =	ssyncset.done @!p0 $0x0  }
0xfa: {  	[sflag:s0] =	ssyncadd.s32 @!p0 s1  }
0xfb: {  	[bflag:$0x3] =	sbarrier.arrive $0xFFFF  }
0xfc: {  	_ =	shalt  }

// kernel: sparse-core-data-format-call.cloned.1.call-start
scs
called_computation_lowered:
.L_overlay_start_0:
0x0: {  	s2 =	sld [smem:$0x3FD9]  }
0x1: {  	s3 =	sld [smem:$0x3FFE];
	_ =	sdelay $0x1  }
0x2: {  	s1 =	srdreg.scid  }
0x3: {  	s0 =	sand.u32 $0x1, s1  }
0x4: {  	s18 =	sshll.u32 s0, $0xA;
	s2 =	sadd.s32 s3, s2  }
0x5: {  	s2 =	sadd.s32 s2, s18  }
0x6: {  	[smem:$0x3FC6] =	sst s2  }
0x7: {  	_ = 	snop  }
0x8: {  	s2 =	sld [smem:$0x3FD0];
	(tm) =	ssettm $0x1  }
0x9: {  	s19 =	sld [smem:$0x3FFB];
	_ =	sdelay $0x3  }
0xa: {  	_ =	strace s19  }
0xb: {  	s3 =	sld [smem:$0x3FFC];
	_ =	sdelay $0x3  }
0xc: {  	_ =	strace s3  }
0xd: {  	s3 =	sld [smem:$0x3FFD];
	_ =	sdelay $0x3  }
0xe: {  	_ =	strace s3  }
0xf: {  	_ =	strace $0x8FFFFFFF  }
0x10: {  	s20 =	sld [smem:$0x3FDB];
	_ =	sdelay $0x1  }
0x11: {  	s4 =	simm.s32 $_scs_section_size  }
0x12: {  	s5 =	simm.s32 $_size__tile_overlayer_lowered;
	s6 =	simm.s32 $_tile_overlayer_lowered  }
0x13: {  	s23 =	simm.s32 $0x1BFF;
	s22 =	sshll.u32 s6, $0x1;
	s3 =	sadd.s32 s4, s20  }
0x14: {  	s7 =	simm.s32 $0x0;
	s21 =	sshll.u32 s5, $0x1;
	s5 =	sadd.s32 s22, s3  }
0x15: {  	[timem:s7], [sflag:s23] =	dma.local [hbm:s5], s21  }
0x16: {  	_ =	swait.ge [sflag:s23], s21  }
0x17: {  	s4 =	ssub.s32 $0x0, s21;
	[sflag:s23] =	ssyncset.done $0x0  }
0x18: {  	[sflag:s23] =	ssyncadd.s32 s4;
	_ =	sdelay $0x1  }
0x19: {  	s24 =	simm.s32 $0x1B8B  }
0x1a: {  	_ =	swait.ge [sflag:s24], $0x1  }
0x1b: {  	[sflag:s24] =	ssyncset.done $0x0  }
0x1c: {  	s26 =	simm.s32 $0x1B8E;
	s25 =	sld [smem:$0x3FFE];
	[sflag:s24] =	ssyncadd.s32 $0xFFFFFFFF  }
0x1d: {  	s27 =	simm.s32 $execute0_lowered;
	[smem:$0x3FD2] =	sst s26  }
0x1e: {  	s5 =	sshll.u32 s27, $0x1;
	_ =	strace $0x80000049;
	[dreg:$0x1] =	wrdreg $0xFFFFFFFF  }
0x1f: {  	s28 =	simm.s32 $_size_execute0_lowered;
	s3 =	sadd.s32 s3, s5;
	[dreg:$0x0] =	wrdreg $0x0  }
0x20: {  	s5 =	sshll.u32 s28, $0x1;
	[dreg:$0x2] =	wrdreg s3  }
0x21: {  	[dreg:$0x3] =	wrdreg s5  }
0x22: {  	[dreg:$0x4] =	wrdreg $0xC0  }
0x23: {  	_ =	task [dreg:s7], $0x5FFFF  }
0x24: {  	[dreg:$0x1] =	wrdreg $0xFFFFFFFF  }
0x25: {  	[dreg:$0x0] =	wrdreg $0x60  }
0x26: {  	[dreg:$0x2] =	wrdreg s25  }
0x27: {  	[dreg:$0x3] =	wrdreg s2  }
0x28: {  	[dreg:$0x4] =	wrdreg $0x9  }
0x29: {  	_ =	task.clear_ibuf [dreg:s7], $0x5FFFF;
	_ =	strace $0x90000049  }
0x2a: {  	s29 =	simm.s32 $0x9;
	_ =	strace $0x8000004B  }
0x2b: {  	_ =	swait.ge [sflag:s29], $0x1  }
0x2c: {  	[sflag:s29] =	ssyncadd.s32 $0xFFFFFFFF  }
0x2d: {  	_ =	strace $0x9000004B  }
0x2e: {  	_ =	sfence  }
0x2f: {  	s30 =	sld [smem:$0x0];
	_ =	sdelay $0x2  }
0x30: {  	s31 =	sshll.u32 s1, $0xD;
	s1 =	sshrl.u32 s1, $0x2  }
0x31: {  	s3 =	sand.u32 $0x4000, s31;
	s1 =	sadd.s32 s1, s30  }
0x32: {  	s0 =	sor.u32 s3, s0;
	s1 =	sshll.u32 s1, $0x11  }
0x33: {  	s0 =	sor.u32 s1, s0  }
0x34: {  	s0 =	sadd.s32 $0x8F2B, s0  }
0x35: {  	[sflag:s0] =	ssyncadd.remote.s32 $0x1  }
0x36: {  	_ =	sfence.sel $0xFFFF  }
0x37: {  	[dreg:$0x0] =	wrdreg $0xFFFFFFFF;
	(pc) =	sbr.abs _section_cstart, $3  }
0x38: {  	[dreg:$0x1] =	wrdreg $0xFFFFFFFF  }
0x39: {  	_ =	task.clear_ibuf [dreg:s7], $0x2FFFF;
	_ =	strace $0x9FFFFFFF  }
0x3a: {  	(tm) =	ssettm $0x7FFFFFFF  }
0x3b: {  	_ =	shalt  }
tec
execute0_lowered:
.L_overlay_start_1:
0x0: {  	(tag) =	ssettag $0x1  }
0x1: {  	s0 =	srdreg.scid  }
0x2: {  	s1 =	sshll.u32 s0, $0x4  }
0x3: {  	s0 =	stileid.u32;
	s1 =	sand.u32 $0x10, s1  }
0x4: {  	s1 =	sor.u32 s0, s1  }
0x5: {  	s6 =	rddreg [dreg:$0x0];
	s4 =	simm.s32 $0x1;
	s2 =	sshll.u32 s1, $0x7  }
0x6: {  	s7 =	simm.s32 $0x2;
	s12 =	simm.s32 $0x0;
	s1 =	ssub.s32 $0x4000, s2  }
0x7: {  	s8 =	simm.s32 $0x20000;
	s13 =	simm.s32 $0x0;
	s3 =	sand.u32 $0xF80, s1  }
0x8: {  	s9 =	simm.s32 $0x0;
	s5 =	sshrl.u32 s1, $0xC;
	p0 =	sne.s32 s3, $0x0  }
.Ltmp0:
0x9: {  	s1 =	rddreg [dreg:$0x2];
	s4 =	simm.s32 @!p0 $0x0;
	(pc) =	sbr.rel .LBB1_1-.Ltmp0, $4  }
0xa: {  	s11 =	simm.s32 $0x0;
	s3 =	rddreg [dreg:$0x1];
	s5 =	sadd.s32 s4, s5  }
0xb: {  	_ =	strace $0x8000004A;
	s4 =	simm.s32 $0x1;
	s5 =	smul.u32 $0x32, s5  }
0xc: {  	s6 =	sadd.s32 $0xA00, s6;
	s10 =	smov.u32 s2;
	[sflag:s4] =	ssyncpa.u1 $0x0  }
0xd: {  	p0 =	por $0x0, $0x0;
	[sflag:s7] =	ssyncpa.u1 $0x0;
	s7 =	sor.u32 $0x1, s5  }
.LBB1_4:
0xe: {  	s16 =	sshll.u32 s13, $0x3;
	s17 =	sand.u32 $0x78, s13  }
0xf: {  	s30 =	sand.u32 $0x1F800, s13;
	s12 =	sshll.u32 s12, $0x11;
	s16 =	sand.u32 $0x3C00, s16  }
0x10: {  	[tilespmem:s15+$0x810 ss:$0x81] =	vst.msk $0xffff, v2;
	s31 =	sand.u32 $0x7, s13;
	s16 =	sor.u32 s17, s16;
	s17 =	sadd.s32 s3, s30  }
0x11: {  	[tilespmem:s15+$0x1020 ss:$0x81] =	vst.msk $0xffff, v0;
	s13 =	sshll.u32 s31, $0x12;
	s12 =	sadd.s32 s12, s17;
	s16 =	sshrl.u32 s16, $0x3  }
0x12: {  	[tilespmem:s15+$0x0 ss:$0x81] =	vst.msk $0xffff, v1;
	s13 =	sor.u32 $0x400, s13;
	s12 =	sadd.s32 s16, s12  }
0x13: {  	[hbm4b:s12+s13] =	stream.strided.scatter [tilespmem:s14], [sflag:$0x2], $0x2000, s8, s13, $0x20;
	[tilespmem:$0x8080] =	vst v63  }
.LBB1_5:
0x14: {  	s14 =	sadd.s32 $0x1, s9  }
0x15: {  	s12 =	sadd.s32 $0x1000, s10;
	s16 =	smov.u32 s10;
	p2 =	sgt.s32 s14, $0x31  }
0x16: {  	s16 =	smov.u32 @p2 s12  }
0x17: {  	s14 =	simm.s32 @p2 $0x0;
	p2 =	sgt.s32 s16, $0x3FFF  }
0x18: {  	s16 =	smov.u32 @p2 s2;
	p2 =	sne.s32 s11, s7  }
.Ltmp1:
0x19: {  	p1 =	slt.u32 s11, $0x2;
	(pc) =	sbr.rel @!p2 .LBB1_6-.Ltmp1, $4  }
0x1a: {  	s15 =	simm.s32 @!p1 $0x2  }
0x1b: {  	s13 =	smov.u32 s10;
	p0 =	por !p0, !p0;
	_ =	swait.ge @!p1 [sflag:s15], $0x2000  }
0x1c: {  	s12 =	smov.u32 s9;
	[sflag:s15] =	ssyncset.done @!p1 $0x0;
	s9 =	smov.u32 s14  }
0x1d: {  	s11 =	sadd.s32 $0x1, s11;
	[sflag:s15] =	ssyncadd.s32 @!p1 $0xFFFFE000;
	s10 =	smov.u32 s16  }
.LBB1_1:
0x1e: {  	p1 =	sge.u32 s11, s5  }
0x1f: {  	s14 =	sand.u32 @!p1 $0x1FFFFFF, s9  }
0x20: {  	s15 =	smulhi.u32 @!p1 $0x4924925, s14;
	_ =	sdelay $0x1  }
0x21: {  	s15 =	smul.u32 @!p1 $0x38, s15  }
0x22: {  	s16 =	sxor.u32 @!p1 $0xFFFFFFFF, s11;
	s17 =	smul.u32 @!p1 $0x380, s10  }
0x23: {  	s31 =	sadd.s32 $0xFFFFFFFF, s11;
	s16 =	sshll.u32 @!p1 s16, $0xD;
	s14 =	ssub.s32 @!p1 s14, s15  }
0x24: {  	s15 =	sand.u32 @!p1 $0x2000, s16;
	s16 =	sadd.s32 @!p1 s6, s17;
	s14 =	sshll.u32 @!p1 s14, $0x4  }
0x25: {  	s17 =	simm.s32 @!p1 $0x1C00;
	s14 =	sadd.s32 @!p1 s14, s16;
	s16 =	simm.s32 @!p1 $0x40  }
0x26: {  	[tilespmem:s15], [sflag:$0x1] =	stream.strided.gather @!p1 [hbm4b:s14+s16], $0x2000, s17, s16, $0x38;
	[tilespmem:$0x8080] =	vst v63  }
0x27: {  	p1 =	sge.u32 s31, s5  }
.Ltmp2:
0x28: {  	_ = 	snop;
	(pc) =	sbr.rel @p1 .LBB1_5-.Ltmp2, $1  }
0x29: {  	_ =	sdelay $0x3  }
0x2a: {  	s14 =	simm.s32 $0x1  }
0x2b: {  	_ =	swait.ge [sflag:s4], $0x2000;
	s14 =	simm.s32 @!p0 $0x0  }
0x2c: {  	[sflag:s4] =	ssyncset.done $0x0;
	s15 =	sshll.u32 s14, $0xD  }
0x2d: {  	[sflag:s4] =	ssyncadd.s32 $0xFFFFE000;
	s18 =	sor.u32 $0x20, s15  }
0x2e: {  	s14 =	smul.u32 $0x8100, s14;
	v3 =	vld [tilespmem:s18+$0x10]  }
0x2f: {  	s30 =	sand.u32 $0x1, s11;
	v2 =	vld [tilespmem:s18+$0xFFFFFFF0]  }
0x30: {  	s15 =	smul.u32 $0x8100, s30;
	s14 =	sshrl.u32 s14, $0x2;
	v0 =	vld [tilespmem:s18+$0x0]  }
0x31: {  	v1 =	vld [tilespmem:s18+$0xFFFFFFE0];
	s16 =	sor.u32 $0x4000, s14  }
0x32: {  	s31 =	sshrl.u32 s15, $0x2;
	s15 =	sadd.s32 $0x0, s16  }
0x33: {  	s17 =	simm.s32 $0x4;
	s18 =	sadd.s32 $0x40, s18;
	s14 =	sor.u32 $0x4000, s31;
	[tilespmem:s15+$0x1830 ss:$0x81] =	vst.msk $0xffff, v3  }
.LBB1_3:
0x34: {  	v3 =	vld [tilespmem:s18+$0x10];
	p1 =	sne.s32 s17, $0x1FC;
	[tilespmem:s15+$0x810 ss:$0x81] =	vst.msk $0xffff, v2;
	s19 =	smov.u32 s17;
	s17 =	sadd.s32 $0x4, s17  }
.Ltmp3:
0x35: {  	v2 =	vld [tilespmem:s18+$0xFFFFFFF0];
	[tilespmem:s15+$0x1020 ss:$0x81] =	vst.msk $0xffff, v0;
	(pc) =	sbr.rel @p1 .LBB1_3-.Ltmp3, $4  }
0x36: {  	v0 =	vld [tilespmem:s18+$0x0];
	[tilespmem:s15+$0x0 ss:$0x81] =	vst.msk $0xffff, v1  }
0x37: {  	s15 =	sshra.s32 s19, $0x2;
	v1 =	vld [tilespmem:s18+$0xFFFFFFE0]  }
0x38: {  	s15 =	sadd.s32 s15, s16  }
0x39: {  	s18 =	sadd.s32 $0x40, s18;
	[tilespmem:s15+$0x1830 ss:$0x81] =	vst.msk $0xffff, v3  }
.Ltmp4:
0x3a: {  	_ = 	snop;
	(pc) =	sbr.rel .LBB1_4-.Ltmp4, $1  }
0x3b: {  	_ =	sdelay $0x3  }
.LBB1_6:
0x3c: {  	_ =	sfence.sel $0x180000  }
0x3d: {  	s2 =	simm.s32 $0x1;
	[bflag:$0x0] =	sbarrier.arrive $0xFFFF  }
0x3e: {  	s31 =	simm.s32 $0x2;
	[sflag:s2] =	ssyncpa.u1 $0x1  }
0x3f: {  	[sflag:s31] =	ssyncpa.u1 $0x1  }
0x40: {  	p0 =	sne.s32 s0, $0x0;
	_ =	strace $0x9000004A  }
0x41: {  	s0 =	sadd.s32 @!p0 $0x100000, s1;
	[bflag:$0x2] =	sbarrier.arrive $0xFFFF  }
0x42: {  	[sflag:s0] =	ssyncadd.tile.s32 @!p0 $0x1;
	_ =	shalt  }
.Lfunc_end1:
_tile_overlayer_lowered:
.L_overlay_start_2:
0x43: {  	(tag) =	ssettag $0x2  }
0x44: {  	s0 =	rddreg [dreg:$0x0];
	s2 =	stileid.u32  }
0x45: {  	s1 =	rddreg [dreg:$0x1];
	p0 =	sne.s32 s2, $0x0  }
0x46: {  	s3 =	rddreg [dreg:$0x2];
	[bflag:$0x3] =	sbarrier.arrive $0xFFFF;
	s2 =	simm.s32 @!p0 $0x1C01  }
0x47: {  	[timem:s3], [sflag:s2] =	dma.local @!p0 [hbm:s0], s1  }
0x48: {  	s0 =	simm.s32 @!p0 $0x1  }
0x49: {  	_ =	swait.ge @!p0 [sflag:s0], s1  }
0x4a: {  	s1 =	ssub.s32 @!p0 $0x0, s1;
	[sflag:s0] =	ssyncset.done @!p0 $0x0  }
0x4b: {  	[sflag:s0] =	ssyncadd.s32 @!p0 s1  }
0x4c: {  	[bflag:$0x3] =	sbarrier.arrive $0xFFFF  }
0x4d: {  	_ =	shalt  }

</sc_bundles>
